<compile_context>
chip_gen: v7x
topology: tpu7x:2x2x1
jax: 0.10.2.dev20260603
libtpu: 0.0.44.dev20260713+nightly
codegen_flags: <defaults>
</compile_context>

<pallas_src>
import jax
import jax.numpy as jnp
from jax import lax
from jax.experimental import pallas as pl
from jax.experimental.pallas import tpu as pltpu
from jax.experimental.pallas import tpu_sc as plsc

N_NODES = 10000
N_EDGES = 320000
D = 128

NC = 2
NS = 16
NW = NC * NS
CHUNK = 80
STRIPE_CHUNKS = (63, 62)
STRIPE_PHASES = ((3, 21), (2, 31))
STRIPE_EPW = tuple(c * CHUNK for c in STRIPE_CHUNKS)
STRIPE_E = tuple(e * NW for e in STRIPE_EPW)
STRIPE_BASE = (0, STRIPE_E[0])
MLP_BLK = 2560
N_PAD = 10240
ROWS_PER_SUB = N_PAD // NS


def _mlp_block_kernel(x_ref, w_ref, b_ref, o_ref):
    h = jnp.dot(x_ref[...], w_ref[...], preferred_element_type=jnp.float32)
    h = jnp.maximum(h + b_ref[...], 0.0)
    o_ref[...] = jax.nn.sigmoid(h)


def _edge_mlp(edge_attr, W1, b1, start_row, n_rows):
    start_blk = start_row // MLP_BLK
    grid = n_rows // MLP_BLK
    return pl.pallas_call(
        _mlp_block_kernel,
        grid=(grid,),
        in_specs=[
            pl.BlockSpec((MLP_BLK, D), lambda i: (start_blk + i, 0)),
            pl.BlockSpec((D, D), lambda i: (0, 0)),
            pl.BlockSpec((1, D), lambda i: (0, 0)),
        ],
        out_specs=pl.BlockSpec((MLP_BLK, D), lambda i: (i, 0)),
        out_shape=jax.ShapeDtypeStruct((n_rows, D), jnp.float32),
    )(edge_attr, W1, b1.reshape(1, D))


def _sum_mlp_kernel(p_ref, w_ref, b_ref, o_ref):
    s = p_ref[0] + p_ref[1]
    h = jnp.dot(s, w_ref[...], preferred_element_type=jnp.float32)
    h = jnp.maximum(h + b_ref[...], 0.0)
    o_ref[...] = jax.nn.sigmoid(h)


def _node_mlp(partials, W2, b2):
    blk = 2000
    grid = N_NODES // blk
    return pl.pallas_call(
        _sum_mlp_kernel,
        grid=(grid,),
        in_specs=[
            pl.BlockSpec((NC, blk, D), lambda i: (0, i, 0)),
            pl.BlockSpec((D, D), lambda i: (0, 0)),
            pl.BlockSpec((1, D), lambda i: (0, 0)),
        ],
        out_specs=pl.BlockSpec((blk, D), lambda i: (i, 0)),
        out_shape=jax.ShapeDtypeStruct((N_NODES, D), jnp.float32),
    )(partials, W2, b2.reshape(1, D))


def _make_sc_body(e_per_w, n_phase, pch, chained):
    n_chunks = n_phase * pch
    assert pch % 2 == 1

    def body(h_hbm, col_hbm, init_hbm, out_hbm,
             idx0, idx1, buf0, buf1, acc_shared,
             gsem0, gsem1, ssem0, ssem1):
        cid = lax.axis_index("c")
        sid = lax.axis_index("s")
        wid = cid * NS + sid

        if chained:
            init_src = init_hbm.at[cid].at[
                pl.ds(sid * ROWS_PER_SUB, ROWS_PER_SUB)]
        else:
            init_src = init_hbm
        pltpu.sync_copy(
            init_src,
            acc_shared.at[pl.ds(sid * ROWS_PER_SUB, ROWS_PER_SUB)],
        )
        plsc.subcore_barrier()

        base = wid * e_per_w
        bufs = (buf0, buf1)
        gsems = (gsem0, gsem1)
        ssems = (ssem0, ssem1)
        idxbufs = (idx0, idx1)

        def fire_gather(c, m):
            pltpu.async_copy(
                h_hbm.at[pl.ds(base + c * CHUNK, CHUNK)], bufs[m], gsems[m])

        def wait_gather(m):
            pltpu.make_async_copy(
                h_hbm.at[pl.ds(0, CHUNK)], bufs[m], gsems[m]).wait()

        def wait_scatter(m):
            pltpu.make_async_copy(
                bufs[m], acc_shared.at[pl.ds(0, CHUNK)], ssems[m]).wait()

        def do_chunk(c, m, idxrow, first=False, last=False):
            wait_gather(m)
            pltpu.async_copy(bufs[m], acc_shared.at[idxrow], ssems[m], add=True)
            if not first:
                wait_scatter(1 - m)
            if not last:
                fire_gather(c + 1, 1 - m)

        pltpu.sync_copy(col_hbm.at[wid, 0], idx0)
        fire_gather(0, 0)
        do_chunk(0, 0, idx0.at[0], first=True)

        for p in range(n_phase):
            ib = idxbufs[p % 2]
            if p > 0:
                pltpu.sync_copy(col_hbm.at[wid, p], ib)

            if p == 0:
                def inner0(o, carry):
                    for b in range(2):
                        j = 1 + 2 * o + b
                        do_chunk(j, (1 + b) % 2, idx0.at[j])
                    return carry
                lax.fori_loop(0, pch // 2, inner0, 0)
            else:
                def inner(o, carry, p=p, ib=ib):
                    for b in range(2):
                        j = 2 * o + b
                        do_chunk(p * pch + j, (p + b) % 2, ib.at[j])
                    return carry
                lax.fori_loop(0, pch // 2, inner, 0)
                j = pch - 1
                c = p * pch + j
                do_chunk(c, (p + j) % 2, ib.at[j], last=(c == n_chunks - 1))

        wait_scatter((n_chunks - 1) % 2)
        plsc.subcore_barrier()

        pltpu.sync_copy(
            acc_shared.at[pl.ds(sid * ROWS_PER_SUB, ROWS_PER_SUB)],
            out_hbm.at[cid].at[pl.ds(sid * ROWS_PER_SUB, ROWS_PER_SUB)],
        )

    return body


def _sc_scatter(h, col4, init, e_per_w, n_phase, pch, chained):
    mesh = plsc.VectorSubcoreMesh(
        core_axis_name="c", subcore_axis_name="s", num_cores=NC, num_subcores=NS
    )
    f = pl.kernel(
        _make_sc_body(e_per_w, n_phase, pch, chained),
        out_type=jax.ShapeDtypeStruct((NC, N_PAD, D), jnp.float32),
        mesh=mesh,
        scratch_types=[
            pltpu.VMEM((pch, CHUNK), jnp.int32),
            pltpu.VMEM((pch, CHUNK), jnp.int32),
            pltpu.VMEM((CHUNK, D), jnp.float32),
            pltpu.VMEM((CHUNK, D), jnp.float32),
            pltpu.VMEM_SHARED((N_PAD, D), jnp.float32),
            pltpu.SemaphoreType.DMA,
            pltpu.SemaphoreType.DMA,
            pltpu.SemaphoreType.DMA,
            pltpu.SemaphoreType.DMA,
        ],
    )
    return f(h, col4, init)


@jax.jit
def kernel(x, edge_index, edge_attr, u, batch, W1, b1, W2, b2):
    col = edge_index[1].astype(jnp.int32)
    acc = jnp.zeros((ROWS_PER_SUB, D), jnp.float32)
    for s in range(len(STRIPE_CHUNKS)):
        n_phase, pch = STRIPE_PHASES[s]
        h = _edge_mlp(edge_attr, W1, b1, STRIPE_BASE[s], STRIPE_E[s])
        cols = lax.slice_in_dim(col, STRIPE_BASE[s],
                                STRIPE_BASE[s] + STRIPE_E[s], axis=0)
        col4 = cols.reshape(NW, n_phase, pch, CHUNK)
        acc = _sc_scatter(h, col4, acc, STRIPE_EPW[s], n_phase, pch,
                          chained=(s > 0))
    return _node_mlp(acc, W2, b2)

# --- scband reference (transcript-rebuilt; emitter-appended) ---
"""Pipeline reference for scband-node-model-62989990363611 (READ-ONLY COPY).

The authoritative reference and input builder live on the scoring server;
editing this copy changes nothing except your own understanding.
"""

import jax, jax.numpy as jnp
import numpy as np

N_NODES = 10000
N_EDGES = 320000
D = 128


def setup_inputs(seed: int = 0) -> dict:
    key = jax.random.key(seed)
    ks = jax.random.split(key, 8)
    x = jax.random.normal(ks[0], (N_NODES, D), dtype=jnp.float32)
    edge_index = jax.random.randint(ks[1], (2, N_EDGES), 0, N_NODES)
    edge_attr = jax.random.normal(ks[2], (N_EDGES, D), dtype=jnp.float32)
    u = jax.random.normal(ks[3], (1, D), dtype=jnp.float32)
    batch = jnp.zeros((N_NODES,), dtype=jnp.int32)
    # Module1 with n_layers=2: Linear(D, D) -> ReLU -> Sigmoid (no extra hidden layers)
    W1 = jax.random.normal(ks[4], (D, D), dtype=jnp.float32) * 0.05
    b1 = jnp.zeros((D,), dtype=jnp.float32)
    W2 = jax.random.normal(ks[5], (D, D), dtype=jnp.float32) * 0.05
    b2 = jnp.zeros((D,), dtype=jnp.float32)
    return {"x": x, "edge_index": edge_index, "edge_attr": edge_attr, "u": u,
            "batch": batch, "W1": W1, "b1": b1, "W2": W2, "b2": b2}


def _mlp(h, W, b):
    # Module1(n_layers=2): Linear -> ReLU -> Sigmoid
    h = h @ W + b
    h = jax.nn.relu(h)
    return jax.nn.sigmoid(h)


def reference(x, edge_index, edge_attr, u, batch, W1, b1, W2, b2):
    col = edge_index[1]
    out = _mlp(edge_attr, W1, b1)                      # node_mlp_1 on edge features
    out = jax.ops.segment_sum(out, col, num_segments=x.shape[0])  # scatter_sum over dst
    return _mlp(out, W2, b2)                           # node_mlp_2

if __name__ == "__main__":
    import jax
    _d = setup_inputs()
    print(jax.jit(kernel)(*tuple(_d.values())))

</pallas_src>

<mosaic_0001>
#map = affine_map<(d0, d1) -> (0, 0)>
#map1 = affine_map<(d0, d1) -> (0, 0, 0, 0)>
#map2 = affine_map<(d0, d1) -> (0, 0, 0)>
module attributes {stable_mosaic.version = 14 : i64} {
  func.func @body(%arg0: i32, %arg1: i32, %arg2: memref<158720x128xf32, #tpu.memory_space<hbm>>, %arg3: memref<32x2x31x80xi32, #tpu.memory_space<hbm>>, %arg4: memref<2x10240x128xf32, #tpu.memory_space<hbm>>, %arg5: memref<2x10240x128xf32, #tpu.memory_space<hbm>>, %arg6: memref<31x80xi32, #tpu.memory_space<vmem>>, %arg7: memref<31x80xi32, #tpu.memory_space<vmem>>, %arg8: memref<80x128xf32, #tpu.memory_space<vmem>>, %arg9: memref<80x128xf32, #tpu.memory_space<vmem>>, %arg10: memref<10240x128xf32, #tpu.memory_space<vmem_shared>>, %arg11: memref<!tpu.dma_semaphore, #tpu.memory_space<semaphore_mem>>, %arg12: memref<!tpu.dma_semaphore, #tpu.memory_space<semaphore_mem>>, %arg13: memref<!tpu.dma_semaphore, #tpu.memory_space<semaphore_mem>>, %arg14: memref<!tpu.dma_semaphore, #tpu.memory_space<semaphore_mem>>) attributes {dimension_semantics = [#tpu.dimension_semantics<core_parallel>, #tpu.dimension_semantics<subcore_parallel>], iteration_bounds = array<i64: 2, 16>, scalar_prefetch = 0 : i64, scratch_operands = 9 : i64, tpu.core_type = #tpu.core_type<sc_vector_subcore>, window_params = [{transform_indices = #map}, {transform_indices = #map1}, {transform_indices = #map2}, {transform_indices = #map2}]} {
    %mul3A = arith.constant 16 : i32
    %mul3A_0 = arith.muli %arg0, %mul3A : i32
    %add3A = arith.addi %mul3A_0, %arg1 : i32
    %mul3A_1 = arith.constant 640 : i32
    %mul3A_2 = arith.muli %arg1, %mul3A_1 : i32
    %mul3A_3 = arith.constant 640 : i32
    %mul3A_4 = arith.muli %arg1, %mul3A_3 : i32
    "tpu.region"() ({
      %run_scoped3A_72 = tpu.sem_alloc : memref<!tpu.dma_semaphore, #tpu.memory_space<semaphore_mem>>
      %dma_start3A_73 = arith.constant 0 : i32
      %dma_start3A_74 = tpu.memref_slice %arg10[%mul3A_4, %dma_start3A_73] : memref<10240x128xf32, #tpu.memory_space<vmem_shared>> -> memref<640x128xf32, #tpu.memory_space<vmem_shared>>
      %dma_start3A_75 = arith.constant 0 : i32
      %dma_start3A_76 = arith.constant 0 : i32
      %dma_start3A_77 = tpu.memref_slice %arg4[%arg0, %dma_start3A_75, %dma_start3A_76] : memref<2x10240x128xf32, #tpu.memory_space<hbm>> -> memref<1x10240x128xf32, #tpu.memory_space<hbm>>
      %dma_start3A_78 = tpu.memref_squeeze %dma_start3A_77 : memref<1x10240x128xf32, #tpu.memory_space<hbm>> -> memref<10240x128xf32, #tpu.memory_space<hbm>>
      %dma_start3A_79 = arith.constant 0 : i32
      %dma_start3A_80 = tpu.memref_slice %dma_start3A_78[%mul3A_2, %dma_start3A_79] : memref<10240x128xf32, #tpu.memory_space<hbm>> -> memref<640x128xf32, #tpu.memory_space<hbm>>
      tpu.enqueue_dma source(%dma_start3A_80 : memref<640x128xf32, #tpu.memory_space<hbm>>) target(%dma_start3A_74 : memref<640x128xf32, #tpu.memory_space<vmem_shared>>) target_semaphore(%run_scoped3A_72 : memref<!tpu.dma_semaphore, #tpu.memory_space<semaphore_mem>>)
      %dma_wait3A_81 = arith.constant 0 : i32
      %dma_wait3A_82 = tpu.memref_slice %arg10[%mul3A_4, %dma_wait3A_81] : memref<10240x128xf32, #tpu.memory_space<vmem_shared>> -> memref<640x128xf32, #tpu.memory_space<vmem_shared>>
      %dma_wait3A_83 = arith.constant 0 : i32
      %dma_wait3A_84 = arith.constant 0 : i32
      %dma_wait3A_85 = tpu.memref_slice %arg4[%arg0, %dma_wait3A_83, %dma_wait3A_84] : memref<2x10240x128xf32, #tpu.memory_space<hbm>> -> memref<1x10240x128xf32, #tpu.memory_space<hbm>>
      %dma_wait3A_86 = tpu.memref_squeeze %dma_wait3A_85 : memref<1x10240x128xf32, #tpu.memory_space<hbm>> -> memref<10240x128xf32, #tpu.memory_space<hbm>>
      %dma_wait3A_87 = arith.constant 0 : i32
      %dma_wait3A_88 = tpu.memref_slice %dma_wait3A_86[%mul3A_2, %dma_wait3A_87] : memref<10240x128xf32, #tpu.memory_space<hbm>> -> memref<640x128xf32, #tpu.memory_space<hbm>>
      tpu.wait_dma2 semaphore(%run_scoped3A_72 : memref<!tpu.dma_semaphore, #tpu.memory_space<semaphore_mem>>) src(%dma_wait3A_88 : memref<640x128xf32, #tpu.memory_space<hbm>>) dst(%dma_wait3A_82 : memref<640x128xf32, #tpu.memory_space<vmem_shared>>)
      tpu.yield
    }) : () -> ()
    %barrier3A = arith.constant 0 : index
    tpu.barrier barrier_id(%barrier3A)
    %mul3A_5 = arith.constant 4960 : i32
    %mul3A_6 = arith.muli %add3A, %mul3A_5 : i32
    %run_scoped3A = arith.constant 0 : i32
    "tpu.region"() ({
      %run_scoped3A_72 = tpu.sem_alloc : memref<!tpu.dma_semaphore, #tpu.memory_space<semaphore_mem>>
      %dma_start3A_73 = arith.constant 0 : i32
      %dma_start3A_74 = arith.constant 0 : i32
      %dma_start3A_75 = tpu.memref_slice %arg3[%add3A, %run_scoped3A, %dma_start3A_73, %dma_start3A_74] : memref<32x2x31x80xi32, #tpu.memory_space<hbm>> -> memref<1x1x31x80xi32, #tpu.memory_space<hbm>>
      %dma_start3A_76 = tpu.memref_squeeze %dma_start3A_75 : memref<1x1x31x80xi32, #tpu.memory_space<hbm>> -> memref<31x80xi32, #tpu.memory_space<hbm>>
      %dma_start3A_77 = arith.constant 0 : i32
      %dma_start3A_78 = arith.constant 0 : i32
      %dma_start3A_79 = tpu.memref_slice %arg3[%add3A, %run_scoped3A, %dma_start3A_77, %dma_start3A_78] : memref<32x2x31x80xi32, #tpu.memory_space<hbm>> -> memref<1x1x31x80xi32, #tpu.memory_space<hbm>>
      %dma_start3A_80 = tpu.memref_squeeze %dma_start3A_79 : memref<1x1x31x80xi32, #tpu.memory_space<hbm>> -> memref<31x80xi32, #tpu.memory_space<hbm>>
      tpu.enqueue_dma source(%dma_start3A_80 : memref<31x80xi32, #tpu.memory_space<hbm>>) target(%arg6 : memref<31x80xi32, #tpu.memory_space<vmem>>) target_semaphore(%run_scoped3A_72 : memref<!tpu.dma_semaphore, #tpu.memory_space<semaphore_mem>>)
      %dma_wait3A_81 = arith.constant 0 : i32
      %dma_wait3A_82 = arith.constant 0 : i32
      %dma_wait3A_83 = tpu.memref_slice %arg3[%add3A, %run_scoped3A, %dma_wait3A_81, %dma_wait3A_82] : memref<32x2x31x80xi32, #tpu.memory_space<hbm>> -> memref<1x1x31x80xi32, #tpu.memory_space<hbm>>
      %dma_wait3A_84 = tpu.memref_squeeze %dma_wait3A_83 : memref<1x1x31x80xi32, #tpu.memory_space<hbm>> -> memref<31x80xi32, #tpu.memory_space<hbm>>
      %dma_wait3A_85 = arith.constant 0 : i32
      %dma_wait3A_86 = arith.constant 0 : i32
      %dma_wait3A_87 = tpu.memref_slice %arg3[%add3A, %run_scoped3A, %dma_wait3A_85, %dma_wait3A_86] : memref<32x2x31x80xi32, #tpu.memory_space<hbm>> -> memref<1x1x31x80xi32, #tpu.memory_space<hbm>>
      %dma_wait3A_88 = tpu.memref_squeeze %dma_wait3A_87 : memref<1x1x31x80xi32, #tpu.memory_space<hbm>> -> memref<31x80xi32, #tpu.memory_space<hbm>>
      tpu.wait_dma2 semaphore(%run_scoped3A_72 : memref<!tpu.dma_semaphore, #tpu.memory_space<semaphore_mem>>) src(%dma_wait3A_88 : memref<31x80xi32, #tpu.memory_space<hbm>>) dst(%arg6 : memref<31x80xi32, #tpu.memory_space<vmem>>)
      tpu.yield
    }) : () -> ()
    %add3A_7 = arith.constant 0 : i32
    %add3A_8 = arith.addi %mul3A_6, %add3A_7 : i32
    %dma_start3A = arith.constant 0 : i32
    %dma_start3A_9 = tpu.memref_slice %arg2[%add3A_8, %dma_start3A] : memref<158720x128xf32, #tpu.memory_space<hbm>> -> memref<80x128xf32, #tpu.memory_space<hbm>>
    %dma_start3A_10 = arith.constant 0 : i32
    %dma_start3A_11 = tpu.memref_slice %arg2[%add3A_8, %dma_start3A_10] : memref<158720x128xf32, #tpu.memory_space<hbm>> -> memref<80x128xf32, #tpu.memory_space<hbm>>
    tpu.enqueue_dma source(%dma_start3A_11 : memref<80x128xf32, #tpu.memory_space<hbm>>) target(%arg8 : memref<80x128xf32, #tpu.memory_space<vmem>>) target_semaphore(%arg11 : memref<!tpu.dma_semaphore, #tpu.memory_space<semaphore_mem>>)
    %dma_wait3A = arith.constant 0 : i32
    %dma_wait3A_12 = arith.constant 0 : i32
    %dma_wait3A_13 = tpu.memref_slice %arg2[%dma_wait3A, %dma_wait3A_12] : memref<158720x128xf32, #tpu.memory_space<hbm>> -> memref<80x128xf32, #tpu.memory_space<hbm>>
    %dma_wait3A_14 = arith.constant 0 : i32
    %dma_wait3A_15 = arith.constant 0 : i32
    %dma_wait3A_16 = tpu.memref_slice %arg2[%dma_wait3A_14, %dma_wait3A_15] : memref<158720x128xf32, #tpu.memory_space<hbm>> -> memref<80x128xf32, #tpu.memory_space<hbm>>
    tpu.wait_dma2 semaphore(%arg11 : memref<!tpu.dma_semaphore, #tpu.memory_space<semaphore_mem>>) src(%dma_wait3A_16 : memref<80x128xf32, #tpu.memory_space<hbm>>) dst(%arg8 : memref<80x128xf32, #tpu.memory_space<vmem>>)
    %dma_start3A_17 = arith.constant 0 : i32
    %dma_start3A_18 = arith.constant 0 : i32
    %dma_start3A_19 = tpu.memref_slice %arg6[%dma_start3A_17, %dma_start3A_18] : memref<31x80xi32, #tpu.memory_space<vmem>> -> memref<1x80xi32, #tpu.memory_space<vmem>>
    %dma_start3A_20 = tpu.memref_squeeze %dma_start3A_19 : memref<1x80xi32, #tpu.memory_space<vmem>> -> memref<80xi32, #tpu.memory_space<vmem>>
    %dma_start3A_21 = arith.constant 0 : i32
    %dma_start3A_22 = arith.constant 0 : i32
    %dma_start3A_23 = tpu.memref_slice %arg10[%dma_start3A_21, %dma_start3A_22] : memref<10240x128xf32, #tpu.memory_space<vmem_shared>> -> memref<10240x128xf32, #tpu.memory_space<vmem_shared>>
    tpu.enqueue_indirect_dma source(%arg8 : memref<80x128xf32, #tpu.memory_space<vmem>>) target(%dma_start3A_23 : memref<10240x128xf32, #tpu.memory_space<vmem_shared>>) offsets(%dma_start3A_20 : memref<80xi32, #tpu.memory_space<vmem>>) semaphore(%arg13 : memref<!tpu.dma_semaphore, #tpu.memory_space<semaphore_mem>>) {add = true}
    %add3A_24 = arith.constant 80 : i32
    %add3A_25 = arith.addi %mul3A_6, %add3A_24 : i32
    %dma_start3A_26 = arith.constant 0 : i32
    %dma_start3A_27 = tpu.memref_slice %arg2[%add3A_25, %dma_start3A_26] : memref<158720x128xf32, #tpu.memory_space<hbm>> -> memref<80x128xf32, #tpu.memory_space<hbm>>
    %dma_start3A_28 = arith.constant 0 : i32
    %dma_start3A_29 = tpu.memref_slice %arg2[%add3A_25, %dma_start3A_28] : memref<158720x128xf32, #tpu.memory_space<hbm>> -> memref<80x128xf32, #tpu.memory_space<hbm>>
    tpu.enqueue_dma source(%dma_start3A_29 : memref<80x128xf32, #tpu.memory_space<hbm>>) target(%arg9 : memref<80x128xf32, #tpu.memory_space<vmem>>) target_semaphore(%arg12 : memref<!tpu.dma_semaphore, #tpu.memory_space<semaphore_mem>>)
    %scan3A = arith.constant 0 : i32
    %scan3A_30 = arith.constant 0 : i32
    %scan3A_31 = arith.constant 15 : i32
    %scan3A_32 = arith.addi %scan3A_30, %scan3A_31 : i32
    %scan3A_33 = arith.constant 1 : i32
    scf.for %scan3A_72 = %scan3A_30 to %scan3A_32 step %scan3A_33  : i32 {
      %mul3A_73 = arith.constant 2 : i32
      %mul3A_74 = arith.muli %mul3A_73, %scan3A_72 : i32
      %add3A_75 = arith.constant 1 : i32
      %add3A_76 = arith.addi %add3A_75, %mul3A_74 : i32
      %add3A_77 = arith.constant 0 : i32
      %add3A_78 = arith.addi %add3A_76, %add3A_77 : i32
      %dma_wait3A_79 = arith.constant 0 : i32
      %dma_wait3A_80 = arith.constant 0 : i32
      %dma_wait3A_81 = tpu.memref_slice %arg2[%dma_wait3A_79, %dma_wait3A_80] : memref<158720x128xf32, #tpu.memory_space<hbm>> -> memref<80x128xf32, #tpu.memory_space<hbm>>
      %dma_wait3A_82 = arith.constant 0 : i32
      %dma_wait3A_83 = arith.constant 0 : i32
      %dma_wait3A_84 = tpu.memref_slice %arg2[%dma_wait3A_82, %dma_wait3A_83] : memref<158720x128xf32, #tpu.memory_space<hbm>> -> memref<80x128xf32, #tpu.memory_space<hbm>>
      tpu.wait_dma2 semaphore(%arg12 : memref<!tpu.dma_semaphore, #tpu.memory_space<semaphore_mem>>) src(%dma_wait3A_84 : memref<80x128xf32, #tpu.memory_space<hbm>>) dst(%arg9 : memref<80x128xf32, #tpu.memory_space<vmem>>)
      %dma_start3A_85 = arith.constant 0 : i32
      %dma_start3A_86 = tpu.memref_slice %arg6[%add3A_78, %dma_start3A_85] : memref<31x80xi32, #tpu.memory_space<vmem>> -> memref<1x80xi32, #tpu.memory_space<vmem>>
      %dma_start3A_87 = tpu.memref_squeeze %dma_start3A_86 : memref<1x80xi32, #tpu.memory_space<vmem>> -> memref<80xi32, #tpu.memory_space<vmem>>
      %dma_start3A_88 = arith.constant 0 : i32
      %dma_start3A_89 = arith.constant 0 : i32
      %dma_start3A_90 = tpu.memref_slice %arg10[%dma_start3A_88, %dma_start3A_89] : memref<10240x128xf32, #tpu.memory_space<vmem_shared>> -> memref<10240x128xf32, #tpu.memory_space<vmem_shared>>
      tpu.enqueue_indirect_dma source(%arg9 : memref<80x128xf32, #tpu.memory_space<vmem>>) target(%dma_start3A_90 : memref<10240x128xf32, #tpu.memory_space<vmem_shared>>) offsets(%dma_start3A_87 : memref<80xi32, #tpu.memory_space<vmem>>) semaphore(%arg14 : memref<!tpu.dma_semaphore, #tpu.memory_space<semaphore_mem>>) {add = true}
      %dma_wait3A_91 = arith.constant 0 : i32
      %dma_wait3A_92 = arith.constant 0 : i32
      %dma_wait3A_93 = tpu.memref_slice %arg10[%dma_wait3A_91, %dma_wait3A_92] : memref<10240x128xf32, #tpu.memory_space<vmem_shared>> -> memref<80x128xf32, #tpu.memory_space<vmem_shared>>
      %dma_wait3A_94 = arith.constant 0 : i32
      %dma_wait3A_95 = arith.constant 0 : i32
      %dma_wait3A_96 = tpu.memref_slice %arg10[%dma_wait3A_94, %dma_wait3A_95] : memref<10240x128xf32, #tpu.memory_space<vmem_shared>> -> memref<80x128xf32, #tpu.memory_space<vmem_shared>>
      tpu.wait_dma2 semaphore(%arg13 : memref<!tpu.dma_semaphore, #tpu.memory_space<semaphore_mem>>) src(%arg8 : memref<80x128xf32, #tpu.memory_space<vmem>>) dst(%dma_wait3A_96 : memref<80x128xf32, #tpu.memory_space<vmem_shared>>)
      %add3A_97 = arith.constant 1 : i32
      %add3A_98 = arith.addi %add3A_78, %add3A_97 : i32
      %mul3A_99 = arith.constant 80 : i32
      %mul3A_100 = arith.muli %add3A_98, %mul3A_99 : i32
      %add3A_101 = arith.addi %mul3A_6, %mul3A_100 : i32
      %dma_start3A_102 = arith.constant 0 : i32
      %dma_start3A_103 = tpu.memref_slice %arg2[%add3A_101, %dma_start3A_102] : memref<158720x128xf32, #tpu.memory_space<hbm>> -> memref<80x128xf32, #tpu.memory_space<hbm>>
      %dma_start3A_104 = arith.constant 0 : i32
      %dma_start3A_105 = tpu.memref_slice %arg2[%add3A_101, %dma_start3A_104] : memref<158720x128xf32, #tpu.memory_space<hbm>> -> memref<80x128xf32, #tpu.memory_space<hbm>>
      tpu.enqueue_dma source(%dma_start3A_105 : memref<80x128xf32, #tpu.memory_space<hbm>>) target(%arg8 : memref<80x128xf32, #tpu.memory_space<vmem>>) target_semaphore(%arg11 : memref<!tpu.dma_semaphore, #tpu.memory_space<semaphore_mem>>)
      %mul3A_106 = arith.constant 2 : i32
      %mul3A_107 = arith.muli %mul3A_106, %scan3A_72 : i32
      %add3A_108 = arith.constant 1 : i32
      %add3A_109 = arith.addi %add3A_108, %mul3A_107 : i32
      %add3A_110 = arith.constant 1 : i32
      %add3A_111 = arith.addi %add3A_109, %add3A_110 : i32
      %dma_wait3A_112 = arith.constant 0 : i32
      %dma_wait3A_113 = arith.constant 0 : i32
      %dma_wait3A_114 = tpu.memref_slice %arg2[%dma_wait3A_112, %dma_wait3A_113] : memref<158720x128xf32, #tpu.memory_space<hbm>> -> memref<80x128xf32, #tpu.memory_space<hbm>>
      %dma_wait3A_115 = arith.constant 0 : i32
      %dma_wait3A_116 = arith.constant 0 : i32
      %dma_wait3A_117 = tpu.memref_slice %arg2[%dma_wait3A_115, %dma_wait3A_116] : memref<158720x128xf32, #tpu.memory_space<hbm>> -> memref<80x128xf32, #tpu.memory_space<hbm>>
      tpu.wait_dma2 semaphore(%arg11 : memref<!tpu.dma_semaphore, #tpu.memory_space<semaphore_mem>>) src(%dma_wait3A_117 : memref<80x128xf32, #tpu.memory_space<hbm>>) dst(%arg8 : memref<80x128xf32, #tpu.memory_space<vmem>>)
      %dma_start3A_118 = arith.constant 0 : i32
      %dma_start3A_119 = tpu.memref_slice %arg6[%add3A_111, %dma_start3A_118] : memref<31x80xi32, #tpu.memory_space<vmem>> -> memref<1x80xi32, #tpu.memory_space<vmem>>
      %dma_start3A_120 = tpu.memref_squeeze %dma_start3A_119 : memref<1x80xi32, #tpu.memory_space<vmem>> -> memref<80xi32, #tpu.memory_space<vmem>>
      %dma_start3A_121 = arith.constant 0 : i32
      %dma_start3A_122 = arith.constant 0 : i32
      %dma_start3A_123 = tpu.memref_slice %arg10[%dma_start3A_121, %dma_start3A_122] : memref<10240x128xf32, #tpu.memory_space<vmem_shared>> -> memref<10240x128xf32, #tpu.memory_space<vmem_shared>>
      tpu.enqueue_indirect_dma source(%arg8 : memref<80x128xf32, #tpu.memory_space<vmem>>) target(%dma_start3A_123 : memref<10240x128xf32, #tpu.memory_space<vmem_shared>>) offsets(%dma_start3A_120 : memref<80xi32, #tpu.memory_space<vmem>>) semaphore(%arg13 : memref<!tpu.dma_semaphore, #tpu.memory_space<semaphore_mem>>) {add = true}
      %dma_wait3A_124 = arith.constant 0 : i32
      %dma_wait3A_125 = arith.constant 0 : i32
      %dma_wait3A_126 = tpu.memref_slice %arg10[%dma_wait3A_124, %dma_wait3A_125] : memref<10240x128xf32, #tpu.memory_space<vmem_shared>> -> memref<80x128xf32, #tpu.memory_space<vmem_shared>>
      %dma_wait3A_127 = arith.constant 0 : i32
      %dma_wait3A_128 = arith.constant 0 : i32
      %dma_wait3A_129 = tpu.memref_slice %arg10[%dma_wait3A_127, %dma_wait3A_128] : memref<10240x128xf32, #tpu.memory_space<vmem_shared>> -> memref<80x128xf32, #tpu.memory_space<vmem_shared>>
      tpu.wait_dma2 semaphore(%arg14 : memref<!tpu.dma_semaphore, #tpu.memory_space<semaphore_mem>>) src(%arg9 : memref<80x128xf32, #tpu.memory_space<vmem>>) dst(%dma_wait3A_129 : memref<80x128xf32, #tpu.memory_space<vmem_shared>>)
      %add3A_130 = arith.constant 1 : i32
      %add3A_131 = arith.addi %add3A_111, %add3A_130 : i32
      %mul3A_132 = arith.constant 80 : i32
      %mul3A_133 = arith.muli %add3A_131, %mul3A_132 : i32
      %add3A_134 = arith.addi %mul3A_6, %mul3A_133 : i32
      %dma_start3A_135 = arith.constant 0 : i32
      %dma_start3A_136 = tpu.memref_slice %arg2[%add3A_134, %dma_start3A_135] : memref<158720x128xf32, #tpu.memory_space<hbm>> -> memref<80x128xf32, #tpu.memory_space<hbm>>
      %dma_start3A_137 = arith.constant 0 : i32
      %dma_start3A_138 = tpu.memref_slice %arg2[%add3A_134, %dma_start3A_137] : memref<158720x128xf32, #tpu.memory_space<hbm>> -> memref<80x128xf32, #tpu.memory_space<hbm>>
      tpu.enqueue_dma source(%dma_start3A_138 : memref<80x128xf32, #tpu.memory_space<hbm>>) target(%arg9 : memref<80x128xf32, #tpu.memory_space<vmem>>) target_semaphore(%arg12 : memref<!tpu.dma_semaphore, #tpu.memory_space<semaphore_mem>>)
    }
    %scan3A_34 = arith.constant 15 : i32
    %run_scoped3A_35 = arith.constant 1 : i32
    "tpu.region"() ({
      %run_scoped3A_72 = tpu.sem_alloc : memref<!tpu.dma_semaphore, #tpu.memory_space<semaphore_mem>>
      %dma_start3A_73 = arith.constant 0 : i32
      %dma_start3A_74 = arith.constant 0 : i32
      %dma_start3A_75 = tpu.memref_slice %arg3[%add3A, %run_scoped3A_35, %dma_start3A_73, %dma_start3A_74] : memref<32x2x31x80xi32, #tpu.memory_space<hbm>> -> memref<1x1x31x80xi32, #tpu.memory_space<hbm>>
      %dma_start3A_76 = tpu.memref_squeeze %dma_start3A_75 : memref<1x1x31x80xi32, #tpu.memory_space<hbm>> -> memref<31x80xi32, #tpu.memory_space<hbm>>
      %dma_start3A_77 = arith.constant 0 : i32
      %dma_start3A_78 = arith.constant 0 : i32
      %dma_start3A_79 = tpu.memref_slice %arg3[%add3A, %run_scoped3A_35, %dma_start3A_77, %dma_start3A_78] : memref<32x2x31x80xi32, #tpu.memory_space<hbm>> -> memref<1x1x31x80xi32, #tpu.memory_space<hbm>>
      %dma_start3A_80 = tpu.memref_squeeze %dma_start3A_79 : memref<1x1x31x80xi32, #tpu.memory_space<hbm>> -> memref<31x80xi32, #tpu.memory_space<hbm>>
      tpu.enqueue_dma source(%dma_start3A_80 : memref<31x80xi32, #tpu.memory_space<hbm>>) target(%arg7 : memref<31x80xi32, #tpu.memory_space<vmem>>) target_semaphore(%run_scoped3A_72 : memref<!tpu.dma_semaphore, #tpu.memory_space<semaphore_mem>>)
      %dma_wait3A_81 = arith.constant 0 : i32
      %dma_wait3A_82 = arith.constant 0 : i32
      %dma_wait3A_83 = tpu.memref_slice %arg3[%add3A, %run_scoped3A_35, %dma_wait3A_81, %dma_wait3A_82] : memref<32x2x31x80xi32, #tpu.memory_space<hbm>> -> memref<1x1x31x80xi32, #tpu.memory_space<hbm>>
      %dma_wait3A_84 = tpu.memref_squeeze %dma_wait3A_83 : memref<1x1x31x80xi32, #tpu.memory_space<hbm>> -> memref<31x80xi32, #tpu.memory_space<hbm>>
      %dma_wait3A_85 = arith.constant 0 : i32
      %dma_wait3A_86 = arith.constant 0 : i32
      %dma_wait3A_87 = tpu.memref_slice %arg3[%add3A, %run_scoped3A_35, %dma_wait3A_85, %dma_wait3A_86] : memref<32x2x31x80xi32, #tpu.memory_space<hbm>> -> memref<1x1x31x80xi32, #tpu.memory_space<hbm>>
      %dma_wait3A_88 = tpu.memref_squeeze %dma_wait3A_87 : memref<1x1x31x80xi32, #tpu.memory_space<hbm>> -> memref<31x80xi32, #tpu.memory_space<hbm>>
      tpu.wait_dma2 semaphore(%run_scoped3A_72 : memref<!tpu.dma_semaphore, #tpu.memory_space<semaphore_mem>>) src(%dma_wait3A_88 : memref<31x80xi32, #tpu.memory_space<hbm>>) dst(%arg7 : memref<31x80xi32, #tpu.memory_space<vmem>>)
      tpu.yield
    }) : () -> ()
    %scan3A_36 = arith.constant 0 : i32
    %scan3A_37 = arith.constant 0 : i32
    %scan3A_38 = arith.constant 15 : i32
    %scan3A_39 = arith.addi %scan3A_37, %scan3A_38 : i32
    %scan3A_40 = arith.constant 1 : i32
    scf.for %scan3A_72 = %scan3A_37 to %scan3A_39 step %scan3A_40  : i32 {
      %mul3A_73 = arith.constant 2 : i32
      %mul3A_74 = arith.muli %mul3A_73, %scan3A_72 : i32
      %add3A_75 = arith.constant 0 : i32
      %add3A_76 = arith.addi %mul3A_74, %add3A_75 : i32
      %add3A_77 = arith.constant 31 : i32
      %add3A_78 = arith.addi %add3A_77, %add3A_76 : i32
      %dma_wait3A_79 = arith.constant 0 : i32
      %dma_wait3A_80 = arith.constant 0 : i32
      %dma_wait3A_81 = tpu.memref_slice %arg2[%dma_wait3A_79, %dma_wait3A_80] : memref<158720x128xf32, #tpu.memory_space<hbm>> -> memref<80x128xf32, #tpu.memory_space<hbm>>
      %dma_wait3A_82 = arith.constant 0 : i32
      %dma_wait3A_83 = arith.constant 0 : i32
      %dma_wait3A_84 = tpu.memref_slice %arg2[%dma_wait3A_82, %dma_wait3A_83] : memref<158720x128xf32, #tpu.memory_space<hbm>> -> memref<80x128xf32, #tpu.memory_space<hbm>>
      tpu.wait_dma2 semaphore(%arg12 : memref<!tpu.dma_semaphore, #tpu.memory_space<semaphore_mem>>) src(%dma_wait3A_84 : memref<80x128xf32, #tpu.memory_space<hbm>>) dst(%arg9 : memref<80x128xf32, #tpu.memory_space<vmem>>)
      %dma_start3A_85 = arith.constant 0 : i32
      %dma_start3A_86 = tpu.memref_slice %arg7[%add3A_76, %dma_start3A_85] : memref<31x80xi32, #tpu.memory_space<vmem>> -> memref<1x80xi32, #tpu.memory_space<vmem>>
      %dma_start3A_87 = tpu.memref_squeeze %dma_start3A_86 : memref<1x80xi32, #tpu.memory_space<vmem>> -> memref<80xi32, #tpu.memory_space<vmem>>
      %dma_start3A_88 = arith.constant 0 : i32
      %dma_start3A_89 = arith.constant 0 : i32
      %dma_start3A_90 = tpu.memref_slice %arg10[%dma_start3A_88, %dma_start3A_89] : memref<10240x128xf32, #tpu.memory_space<vmem_shared>> -> memref<10240x128xf32, #tpu.memory_space<vmem_shared>>
      tpu.enqueue_indirect_dma source(%arg9 : memref<80x128xf32, #tpu.memory_space<vmem>>) target(%dma_start3A_90 : memref<10240x128xf32, #tpu.memory_space<vmem_shared>>) offsets(%dma_start3A_87 : memref<80xi32, #tpu.memory_space<vmem>>) semaphore(%arg14 : memref<!tpu.dma_semaphore, #tpu.memory_space<semaphore_mem>>) {add = true}
      %dma_wait3A_91 = arith.constant 0 : i32
      %dma_wait3A_92 = arith.constant 0 : i32
      %dma_wait3A_93 = tpu.memref_slice %arg10[%dma_wait3A_91, %dma_wait3A_92] : memref<10240x128xf32, #tpu.memory_space<vmem_shared>> -> memref<80x128xf32, #tpu.memory_space<vmem_shared>>
      %dma_wait3A_94 = arith.constant 0 : i32
      %dma_wait3A_95 = arith.constant 0 : i32
      %dma_wait3A_96 = tpu.memref_slice %arg10[%dma_wait3A_94, %dma_wait3A_95] : memref<10240x128xf32, #tpu.memory_space<vmem_shared>> -> memref<80x128xf32, #tpu.memory_space<vmem_shared>>
      tpu.wait_dma2 semaphore(%arg13 : memref<!tpu.dma_semaphore, #tpu.memory_space<semaphore_mem>>) src(%arg8 : memref<80x128xf32, #tpu.memory_space<vmem>>) dst(%dma_wait3A_96 : memref<80x128xf32, #tpu.memory_space<vmem_shared>>)
      %add3A_97 = arith.constant 1 : i32
      %add3A_98 = arith.addi %add3A_78, %add3A_97 : i32
      %mul3A_99 = arith.constant 80 : i32
      %mul3A_100 = arith.muli %add3A_98, %mul3A_99 : i32
      %add3A_101 = arith.addi %mul3A_6, %mul3A_100 : i32
      %dma_start3A_102 = arith.constant 0 : i32
      %dma_start3A_103 = tpu.memref_slice %arg2[%add3A_101, %dma_start3A_102] : memref<158720x128xf32, #tpu.memory_space<hbm>> -> memref<80x128xf32, #tpu.memory_space<hbm>>
      %dma_start3A_104 = arith.constant 0 : i32
      %dma_start3A_105 = tpu.memref_slice %arg2[%add3A_101, %dma_start3A_104] : memref<158720x128xf32, #tpu.memory_space<hbm>> -> memref<80x128xf32, #tpu.memory_space<hbm>>
      tpu.enqueue_dma source(%dma_start3A_105 : memref<80x128xf32, #tpu.memory_space<hbm>>) target(%arg8 : memref<80x128xf32, #tpu.memory_space<vmem>>) target_semaphore(%arg11 : memref<!tpu.dma_semaphore, #tpu.memory_space<semaphore_mem>>)
      %mul3A_106 = arith.constant 2 : i32
      %mul3A_107 = arith.muli %mul3A_106, %scan3A_72 : i32
      %add3A_108 = arith.constant 1 : i32
      %add3A_109 = arith.addi %mul3A_107, %add3A_108 : i32
      %add3A_110 = arith.constant 31 : i32
      %add3A_111 = arith.addi %add3A_110, %add3A_109 : i32
      %dma_wait3A_112 = arith.constant 0 : i32
      %dma_wait3A_113 = arith.constant 0 : i32
      %dma_wait3A_114 = tpu.memref_slice %arg2[%dma_wait3A_112, %dma_wait3A_113] : memref<158720x128xf32, #tpu.memory_space<hbm>> -> memref<80x128xf32, #tpu.memory_space<hbm>>
      %dma_wait3A_115 = arith.constant 0 : i32
      %dma_wait3A_116 = arith.constant 0 : i32
      %dma_wait3A_117 = tpu.memref_slice %arg2[%dma_wait3A_115, %dma_wait3A_116] : memref<158720x128xf32, #tpu.memory_space<hbm>> -> memref<80x128xf32, #tpu.memory_space<hbm>>
      tpu.wait_dma2 semaphore(%arg11 : memref<!tpu.dma_semaphore, #tpu.memory_space<semaphore_mem>>) src(%dma_wait3A_117 : memref<80x128xf32, #tpu.memory_space<hbm>>) dst(%arg8 : memref<80x128xf32, #tpu.memory_space<vmem>>)
      %dma_start3A_118 = arith.constant 0 : i32
      %dma_start3A_119 = tpu.memref_slice %arg7[%add3A_109, %dma_start3A_118] : memref<31x80xi32, #tpu.memory_space<vmem>> -> memref<1x80xi32, #tpu.memory_space<vmem>>
      %dma_start3A_120 = tpu.memref_squeeze %dma_start3A_119 : memref<1x80xi32, #tpu.memory_space<vmem>> -> memref<80xi32, #tpu.memory_space<vmem>>
      %dma_start3A_121 = arith.constant 0 : i32
      %dma_start3A_122 = arith.constant 0 : i32
      %dma_start3A_123 = tpu.memref_slice %arg10[%dma_start3A_121, %dma_start3A_122] : memref<10240x128xf32, #tpu.memory_space<vmem_shared>> -> memref<10240x128xf32, #tpu.memory_space<vmem_shared>>
      tpu.enqueue_indirect_dma source(%arg8 : memref<80x128xf32, #tpu.memory_space<vmem>>) target(%dma_start3A_123 : memref<10240x128xf32, #tpu.memory_space<vmem_shared>>) offsets(%dma_start3A_120 : memref<80xi32, #tpu.memory_space<vmem>>) semaphore(%arg13 : memref<!tpu.dma_semaphore, #tpu.memory_space<semaphore_mem>>) {add = true}
      %dma_wait3A_124 = arith.constant 0 : i32
      %dma_wait3A_125 = arith.constant 0 : i32
      %dma_wait3A_126 = tpu.memref_slice %arg10[%dma_wait3A_124, %dma_wait3A_125] : memref<10240x128xf32, #tpu.memory_space<vmem_shared>> -> memref<80x128xf32, #tpu.memory_space<vmem_shared>>
      %dma_wait3A_127 = arith.constant 0 : i32
      %dma_wait3A_128 = arith.constant 0 : i32
      %dma_wait3A_129 = tpu.memref_slice %arg10[%dma_wait3A_127, %dma_wait3A_128] : memref<10240x128xf32, #tpu.memory_space<vmem_shared>> -> memref<80x128xf32, #tpu.memory_space<vmem_shared>>
      tpu.wait_dma2 semaphore(%arg14 : memref<!tpu.dma_semaphore, #tpu.memory_space<semaphore_mem>>) src(%arg9 : memref<80x128xf32, #tpu.memory_space<vmem>>) dst(%dma_wait3A_129 : memref<80x128xf32, #tpu.memory_space<vmem_shared>>)
      %add3A_130 = arith.constant 1 : i32
      %add3A_131 = arith.addi %add3A_111, %add3A_130 : i32
      %mul3A_132 = arith.constant 80 : i32
      %mul3A_133 = arith.muli %add3A_131, %mul3A_132 : i32
      %add3A_134 = arith.addi %mul3A_6, %mul3A_133 : i32
      %dma_start3A_135 = arith.constant 0 : i32
      %dma_start3A_136 = tpu.memref_slice %arg2[%add3A_134, %dma_start3A_135] : memref<158720x128xf32, #tpu.memory_space<hbm>> -> memref<80x128xf32, #tpu.memory_space<hbm>>
      %dma_start3A_137 = arith.constant 0 : i32
      %dma_start3A_138 = tpu.memref_slice %arg2[%add3A_134, %dma_start3A_137] : memref<158720x128xf32, #tpu.memory_space<hbm>> -> memref<80x128xf32, #tpu.memory_space<hbm>>
      tpu.enqueue_dma source(%dma_start3A_138 : memref<80x128xf32, #tpu.memory_space<hbm>>) target(%arg9 : memref<80x128xf32, #tpu.memory_space<vmem>>) target_semaphore(%arg12 : memref<!tpu.dma_semaphore, #tpu.memory_space<semaphore_mem>>)
    }
    %scan3A_41 = arith.constant 15 : i32
    %dma_wait3A_42 = arith.constant 0 : i32
    %dma_wait3A_43 = arith.constant 0 : i32
    %dma_wait3A_44 = tpu.memref_slice %arg2[%dma_wait3A_42, %dma_wait3A_43] : memref<158720x128xf32, #tpu.memory_space<hbm>> -> memref<80x128xf32, #tpu.memory_space<hbm>>
    %dma_wait3A_45 = arith.constant 0 : i32
    %dma_wait3A_46 = arith.constant 0 : i32
    %dma_wait3A_47 = tpu.memref_slice %arg2[%dma_wait3A_45, %dma_wait3A_46] : memref<158720x128xf32, #tpu.memory_space<hbm>> -> memref<80x128xf32, #tpu.memory_space<hbm>>
    tpu.wait_dma2 semaphore(%arg12 : memref<!tpu.dma_semaphore, #tpu.memory_space<semaphore_mem>>) src(%dma_wait3A_47 : memref<80x128xf32, #tpu.memory_space<hbm>>) dst(%arg9 : memref<80x128xf32, #tpu.memory_space<vmem>>)
    %dma_start3A_48 = arith.constant 30 : i32
    %dma_start3A_49 = arith.constant 0 : i32
    %dma_start3A_50 = tpu.memref_slice %arg7[%dma_start3A_48, %dma_start3A_49] : memref<31x80xi32, #tpu.memory_space<vmem>> -> memref<1x80xi32, #tpu.memory_space<vmem>>
    %dma_start3A_51 = tpu.memref_squeeze %dma_start3A_50 : memref<1x80xi32, #tpu.memory_space<vmem>> -> memref<80xi32, #tpu.memory_space<vmem>>
    %dma_start3A_52 = arith.constant 0 : i32
    %dma_start3A_53 = arith.constant 0 : i32
    %dma_start3A_54 = tpu.memref_slice %arg10[%dma_start3A_52, %dma_start3A_53] : memref<10240x128xf32, #tpu.memory_space<vmem_shared>> -> memref<10240x128xf32, #tpu.memory_space<vmem_shared>>
    tpu.enqueue_indirect_dma source(%arg9 : memref<80x128xf32, #tpu.memory_space<vmem>>) target(%dma_start3A_54 : memref<10240x128xf32, #tpu.memory_space<vmem_shared>>) offsets(%dma_start3A_51 : memref<80xi32, #tpu.memory_space<vmem>>) semaphore(%arg14 : memref<!tpu.dma_semaphore, #tpu.memory_space<semaphore_mem>>) {add = true}
    %dma_wait3A_55 = arith.constant 0 : i32
    %dma_wait3A_56 = arith.constant 0 : i32
    %dma_wait3A_57 = tpu.memref_slice %arg10[%dma_wait3A_55, %dma_wait3A_56] : memref<10240x128xf32, #tpu.memory_space<vmem_shared>> -> memref<80x128xf32, #tpu.memory_space<vmem_shared>>
    %dma_wait3A_58 = arith.constant 0 : i32
    %dma_wait3A_59 = arith.constant 0 : i32
    %dma_wait3A_60 = tpu.memref_slice %arg10[%dma_wait3A_58, %dma_wait3A_59] : memref<10240x128xf32, #tpu.memory_space<vmem_shared>> -> memref<80x128xf32, #tpu.memory_space<vmem_shared>>
    tpu.wait_dma2 semaphore(%arg13 : memref<!tpu.dma_semaphore, #tpu.memory_space<semaphore_mem>>) src(%arg8 : memref<80x128xf32, #tpu.memory_space<vmem>>) dst(%dma_wait3A_60 : memref<80x128xf32, #tpu.memory_space<vmem_shared>>)
    %dma_wait3A_61 = arith.constant 0 : i32
    %dma_wait3A_62 = arith.constant 0 : i32
    %dma_wait3A_63 = tpu.memref_slice %arg10[%dma_wait3A_61, %dma_wait3A_62] : memref<10240x128xf32, #tpu.memory_space<vmem_shared>> -> memref<80x128xf32, #tpu.memory_space<vmem_shared>>
    %dma_wait3A_64 = arith.constant 0 : i32
    %dma_wait3A_65 = arith.constant 0 : i32
    %dma_wait3A_66 = tpu.memref_slice %arg10[%dma_wait3A_64, %dma_wait3A_65] : memref<10240x128xf32, #tpu.memory_space<vmem_shared>> -> memref<80x128xf32, #tpu.memory_space<vmem_shared>>
    tpu.wait_dma2 semaphore(%arg14 : memref<!tpu.dma_semaphore, #tpu.memory_space<semaphore_mem>>) src(%arg9 : memref<80x128xf32, #tpu.memory_space<vmem>>) dst(%dma_wait3A_66 : memref<80x128xf32, #tpu.memory_space<vmem_shared>>)
    %barrier3A_67 = arith.constant 0 : index
    tpu.barrier barrier_id(%barrier3A_67)
    %mul3A_68 = arith.constant 640 : i32
    %mul3A_69 = arith.muli %arg1, %mul3A_68 : i32
    %mul3A_70 = arith.constant 640 : i32
    %mul3A_71 = arith.muli %arg1, %mul3A_70 : i32
    "tpu.region"() ({
      %run_scoped3A_72 = tpu.sem_alloc : memref<!tpu.dma_semaphore, #tpu.memory_space<semaphore_mem>>
      %dma_start3A_73 = arith.constant 0 : i32
      %dma_start3A_74 = arith.constant 0 : i32
      %dma_start3A_75 = tpu.memref_slice %arg5[%arg0, %dma_start3A_73, %dma_start3A_74] : memref<2x10240x128xf32, #tpu.memory_space<hbm>> -> memref<1x10240x128xf32, #tpu.memory_space<hbm>>
      %dma_start3A_76 = tpu.memref_squeeze %dma_start3A_75 : memref<1x10240x128xf32, #tpu.memory_space<hbm>> -> memref<10240x128xf32, #tpu.memory_space<hbm>>
      %dma_start3A_77 = arith.constant 0 : i32
      %dma_start3A_78 = tpu.memref_slice %dma_start3A_76[%mul3A_71, %dma_start3A_77] : memref<10240x128xf32, #tpu.memory_space<hbm>> -> memref<640x128xf32, #tpu.memory_space<hbm>>
      %dma_start3A_79 = arith.constant 0 : i32
      %dma_start3A_80 = tpu.memref_slice %arg10[%mul3A_69, %dma_start3A_79] : memref<10240x128xf32, #tpu.memory_space<vmem_shared>> -> memref<640x128xf32, #tpu.memory_space<vmem_shared>>
      tpu.enqueue_dma source(%dma_start3A_80 : memref<640x128xf32, #tpu.memory_space<vmem_shared>>) target(%dma_start3A_78 : memref<640x128xf32, #tpu.memory_space<hbm>>) target_semaphore(%run_scoped3A_72 : memref<!tpu.dma_semaphore, #tpu.memory_space<semaphore_mem>>)
      %dma_wait3A_81 = arith.constant 0 : i32
      %dma_wait3A_82 = arith.constant 0 : i32
      %dma_wait3A_83 = tpu.memref_slice %arg5[%arg0, %dma_wait3A_81, %dma_wait3A_82] : memref<2x10240x128xf32, #tpu.memory_space<hbm>> -> memref<1x10240x128xf32, #tpu.memory_space<hbm>>
      %dma_wait3A_84 = tpu.memref_squeeze %dma_wait3A_83 : memref<1x10240x128xf32, #tpu.memory_space<hbm>> -> memref<10240x128xf32, #tpu.memory_space<hbm>>
      %dma_wait3A_85 = arith.constant 0 : i32
      %dma_wait3A_86 = tpu.memref_slice %dma_wait3A_84[%mul3A_71, %dma_wait3A_85] : memref<10240x128xf32, #tpu.memory_space<hbm>> -> memref<640x128xf32, #tpu.memory_space<hbm>>
      %dma_wait3A_87 = arith.constant 0 : i32
      %dma_wait3A_88 = tpu.memref_slice %arg10[%mul3A_69, %dma_wait3A_87] : memref<10240x128xf32, #tpu.memory_space<vmem_shared>> -> memref<640x128xf32, #tpu.memory_space<vmem_shared>>
      tpu.wait_dma2 semaphore(%run_scoped3A_72 : memref<!tpu.dma_semaphore, #tpu.memory_space<semaphore_mem>>) src(%dma_wait3A_88 : memref<640x128xf32, #tpu.memory_space<vmem_shared>>) dst(%dma_wait3A_86 : memref<640x128xf32, #tpu.memory_space<hbm>>)
      tpu.yield
    }) : () -> ()
    return
  }
}

#map = affine_map<(d0, d1) -> (0, 0)>
#map1 = affine_map<(d0, d1) -> (0, 0, 0, 0)>
#map2 = affine_map<(d0, d1) -> (0, 0, 0)>
module attributes {stable_mosaic.version = 14 : i64} {
  func.func @body(%arg0: i32, %arg1: i32, %arg2: memref<161280x128xf32, #tpu.memory_space<hbm>>, %arg3: memref<32x3x21x80xi32, #tpu.memory_space<hbm>>, %arg4: memref<640x128xf32, #tpu.memory_space<hbm>>, %arg5: memref<2x10240x128xf32, #tpu.memory_space<hbm>>, %arg6: memref<21x80xi32, #tpu.memory_space<vmem>>, %arg7: memref<21x80xi32, #tpu.memory_space<vmem>>, %arg8: memref<80x128xf32, #tpu.memory_space<vmem>>, %arg9: memref<80x128xf32, #tpu.memory_space<vmem>>, %arg10: memref<10240x128xf32, #tpu.memory_space<vmem_shared>>, %arg11: memref<!tpu.dma_semaphore, #tpu.memory_space<semaphore_mem>>, %arg12: memref<!tpu.dma_semaphore, #tpu.memory_space<semaphore_mem>>, %arg13: memref<!tpu.dma_semaphore, #tpu.memory_space<semaphore_mem>>, %arg14: memref<!tpu.dma_semaphore, #tpu.memory_space<semaphore_mem>>) attributes {dimension_semantics = [#tpu.dimension_semantics<core_parallel>, #tpu.dimension_semantics<subcore_parallel>], iteration_bounds = array<i64: 2, 16>, scalar_prefetch = 0 : i64, scratch_operands = 9 : i64, tpu.core_type = #tpu.core_type<sc_vector_subcore>, window_params = [{transform_indices = #map}, {transform_indices = #map1}, {transform_indices = #map}, {transform_indices = #map2}]} {
    %mul3A = arith.constant 16 : i32
    %mul3A_0 = arith.muli %arg0, %mul3A : i32
    %add3A = arith.addi %mul3A_0, %arg1 : i32
    %mul3A_1 = arith.constant 640 : i32
    %mul3A_2 = arith.muli %arg1, %mul3A_1 : i32
    "tpu.region"() ({
      %run_scoped3A_102 = tpu.sem_alloc : memref<!tpu.dma_semaphore, #tpu.memory_space<semaphore_mem>>
      %dma_start3A_103 = arith.constant 0 : i32
      %dma_start3A_104 = tpu.memref_slice %arg10[%mul3A_2, %dma_start3A_103] : memref<10240x128xf32, #tpu.memory_space<vmem_shared>> -> memref<640x128xf32, #tpu.memory_space<vmem_shared>>
      tpu.enqueue_dma source(%arg4 : memref<640x128xf32, #tpu.memory_space<hbm>>) target(%dma_start3A_104 : memref<640x128xf32, #tpu.memory_space<vmem_shared>>) target_semaphore(%run_scoped3A_102 : memref<!tpu.dma_semaphore, #tpu.memory_space<semaphore_mem>>)
      %dma_wait3A_105 = arith.constant 0 : i32
      %dma_wait3A_106 = tpu.memref_slice %arg10[%mul3A_2, %dma_wait3A_105] : memref<10240x128xf32, #tpu.memory_space<vmem_shared>> -> memref<640x128xf32, #tpu.memory_space<vmem_shared>>
      tpu.wait_dma2 semaphore(%run_scoped3A_102 : memref<!tpu.dma_semaphore, #tpu.memory_space<semaphore_mem>>) src(%arg4 : memref<640x128xf32, #tpu.memory_space<hbm>>) dst(%dma_wait3A_106 : memref<640x128xf32, #tpu.memory_space<vmem_shared>>)
      tpu.yield
    }) : () -> ()
    %barrier3A = arith.constant 0 : index
    tpu.barrier barrier_id(%barrier3A)
    %mul3A_3 = arith.constant 5040 : i32
    %mul3A_4 = arith.muli %add3A, %mul3A_3 : i32
    %run_scoped3A = arith.constant 0 : i32
    "tpu.region"() ({
      %run_scoped3A_102 = tpu.sem_alloc : memref<!tpu.dma_semaphore, #tpu.memory_space<semaphore_mem>>
      %dma_start3A_103 = arith.constant 0 : i32
      %dma_start3A_104 = arith.constant 0 : i32
      %dma_start3A_105 = tpu.memref_slice %arg3[%add3A, %run_scoped3A, %dma_start3A_103, %dma_start3A_104] : memref<32x3x21x80xi32, #tpu.memory_space<hbm>> -> memref<1x1x21x80xi32, #tpu.memory_space<hbm>>
      %dma_start3A_106 = tpu.memref_squeeze %dma_start3A_105 : memref<1x1x21x80xi32, #tpu.memory_space<hbm>> -> memref<21x80xi32, #tpu.memory_space<hbm>>
      %dma_start3A_107 = arith.constant 0 : i32
      %dma_start3A_108 = arith.constant 0 : i32
      %dma_start3A_109 = tpu.memref_slice %arg3[%add3A, %run_scoped3A, %dma_start3A_107, %dma_start3A_108] : memref<32x3x21x80xi32, #tpu.memory_space<hbm>> -> memref<1x1x21x80xi32, #tpu.memory_space<hbm>>
      %dma_start3A_110 = tpu.memref_squeeze %dma_start3A_109 : memref<1x1x21x80xi32, #tpu.memory_space<hbm>> -> memref<21x80xi32, #tpu.memory_space<hbm>>
      tpu.enqueue_dma source(%dma_start3A_110 : memref<21x80xi32, #tpu.memory_space<hbm>>) target(%arg6 : memref<21x80xi32, #tpu.memory_space<vmem>>) target_semaphore(%run_scoped3A_102 : memref<!tpu.dma_semaphore, #tpu.memory_space<semaphore_mem>>)
      %dma_wait3A_111 = arith.constant 0 : i32
      %dma_wait3A_112 = arith.constant 0 : i32
      %dma_wait3A_113 = tpu.memref_slice %arg3[%add3A, %run_scoped3A, %dma_wait3A_111, %dma_wait3A_112] : memref<32x3x21x80xi32, #tpu.memory_space<hbm>> -> memref<1x1x21x80xi32, #tpu.memory_space<hbm>>
      %dma_wait3A_114 = tpu.memref_squeeze %dma_wait3A_113 : memref<1x1x21x80xi32, #tpu.memory_space<hbm>> -> memref<21x80xi32, #tpu.memory_space<hbm>>
      %dma_wait3A_115 = arith.constant 0 : i32
      %dma_wait3A_116 = arith.constant 0 : i32
      %dma_wait3A_117 = tpu.memref_slice %arg3[%add3A, %run_scoped3A, %dma_wait3A_115, %dma_wait3A_116] : memref<32x3x21x80xi32, #tpu.memory_space<hbm>> -> memref<1x1x21x80xi32, #tpu.memory_space<hbm>>
      %dma_wait3A_118 = tpu.memref_squeeze %dma_wait3A_117 : memref<1x1x21x80xi32, #tpu.memory_space<hbm>> -> memref<21x80xi32, #tpu.memory_space<hbm>>
      tpu.wait_dma2 semaphore(%run_scoped3A_102 : memref<!tpu.dma_semaphore, #tpu.memory_space<semaphore_mem>>) src(%dma_wait3A_118 : memref<21x80xi32, #tpu.memory_space<hbm>>) dst(%arg6 : memref<21x80xi32, #tpu.memory_space<vmem>>)
      tpu.yield
    }) : () -> ()
    %add3A_5 = arith.constant 0 : i32
    %add3A_6 = arith.addi %mul3A_4, %add3A_5 : i32
    %dma_start3A = arith.constant 0 : i32
    %dma_start3A_7 = tpu.memref_slice %arg2[%add3A_6, %dma_start3A] : memref<161280x128xf32, #tpu.memory_space<hbm>> -> memref<80x128xf32, #tpu.memory_space<hbm>>
    %dma_start3A_8 = arith.constant 0 : i32
    %dma_start3A_9 = tpu.memref_slice %arg2[%add3A_6, %dma_start3A_8] : memref<161280x128xf32, #tpu.memory_space<hbm>> -> memref<80x128xf32, #tpu.memory_space<hbm>>
    tpu.enqueue_dma source(%dma_start3A_9 : memref<80x128xf32, #tpu.memory_space<hbm>>) target(%arg8 : memref<80x128xf32, #tpu.memory_space<vmem>>) target_semaphore(%arg11 : memref<!tpu.dma_semaphore, #tpu.memory_space<semaphore_mem>>)
    %dma_wait3A = arith.constant 0 : i32
    %dma_wait3A_10 = arith.constant 0 : i32
    %dma_wait3A_11 = tpu.memref_slice %arg2[%dma_wait3A, %dma_wait3A_10] : memref<161280x128xf32, #tpu.memory_space<hbm>> -> memref<80x128xf32, #tpu.memory_space<hbm>>
    %dma_wait3A_12 = arith.constant 0 : i32
    %dma_wait3A_13 = arith.constant 0 : i32
    %dma_wait3A_14 = tpu.memref_slice %arg2[%dma_wait3A_12, %dma_wait3A_13] : memref<161280x128xf32, #tpu.memory_space<hbm>> -> memref<80x128xf32, #tpu.memory_space<hbm>>
    tpu.wait_dma2 semaphore(%arg11 : memref<!tpu.dma_semaphore, #tpu.memory_space<semaphore_mem>>) src(%dma_wait3A_14 : memref<80x128xf32, #tpu.memory_space<hbm>>) dst(%arg8 : memref<80x128xf32, #tpu.memory_space<vmem>>)
    %dma_start3A_15 = arith.constant 0 : i32
    %dma_start3A_16 = arith.constant 0 : i32
    %dma_start3A_17 = tpu.memref_slice %arg6[%dma_start3A_15, %dma_start3A_16] : memref<21x80xi32, #tpu.memory_space<vmem>> -> memref<1x80xi32, #tpu.memory_space<vmem>>
    %dma_start3A_18 = tpu.memref_squeeze %dma_start3A_17 : memref<1x80xi32, #tpu.memory_space<vmem>> -> memref<80xi32, #tpu.memory_space<vmem>>
    %dma_start3A_19 = arith.constant 0 : i32
    %dma_start3A_20 = arith.constant 0 : i32
    %dma_start3A_21 = tpu.memref_slice %arg10[%dma_start3A_19, %dma_start3A_20] : memref<10240x128xf32, #tpu.memory_space<vmem_shared>> -> memref<10240x128xf32, #tpu.memory_space<vmem_shared>>
    tpu.enqueue_indirect_dma source(%arg8 : memref<80x128xf32, #tpu.memory_space<vmem>>) target(%dma_start3A_21 : memref<10240x128xf32, #tpu.memory_space<vmem_shared>>) offsets(%dma_start3A_18 : memref<80xi32, #tpu.memory_space<vmem>>) semaphore(%arg13 : memref<!tpu.dma_semaphore, #tpu.memory_space<semaphore_mem>>) {add = true}
    %add3A_22 = arith.constant 80 : i32
    %add3A_23 = arith.addi %mul3A_4, %add3A_22 : i32
    %dma_start3A_24 = arith.constant 0 : i32
    %dma_start3A_25 = tpu.memref_slice %arg2[%add3A_23, %dma_start3A_24] : memref<161280x128xf32, #tpu.memory_space<hbm>> -> memref<80x128xf32, #tpu.memory_space<hbm>>
    %dma_start3A_26 = arith.constant 0 : i32
    %dma_start3A_27 = tpu.memref_slice %arg2[%add3A_23, %dma_start3A_26] : memref<161280x128xf32, #tpu.memory_space<hbm>> -> memref<80x128xf32, #tpu.memory_space<hbm>>
    tpu.enqueue_dma source(%dma_start3A_27 : memref<80x128xf32, #tpu.memory_space<hbm>>) target(%arg9 : memref<80x128xf32, #tpu.memory_space<vmem>>) target_semaphore(%arg12 : memref<!tpu.dma_semaphore, #tpu.memory_space<semaphore_mem>>)
    %scan3A = arith.constant 0 : i32
    %scan3A_28 = arith.constant 0 : i32
    %scan3A_29 = arith.constant 10 : i32
    %scan3A_30 = arith.addi %scan3A_28, %scan3A_29 : i32
    %scan3A_31 = arith.constant 1 : i32
    scf.for %scan3A_102 = %scan3A_28 to %scan3A_30 step %scan3A_31  : i32 {
      %mul3A_103 = arith.constant 2 : i32
      %mul3A_104 = arith.muli %mul3A_103, %scan3A_102 : i32
      %add3A_105 = arith.constant 1 : i32
      %add3A_106 = arith.addi %add3A_105, %mul3A_104 : i32
      %add3A_107 = arith.constant 0 : i32
      %add3A_108 = arith.addi %add3A_106, %add3A_107 : i32
      %dma_wait3A_109 = arith.constant 0 : i32
      %dma_wait3A_110 = arith.constant 0 : i32
      %dma_wait3A_111 = tpu.memref_slice %arg2[%dma_wait3A_109, %dma_wait3A_110] : memref<161280x128xf32, #tpu.memory_space<hbm>> -> memref<80x128xf32, #tpu.memory_space<hbm>>
      %dma_wait3A_112 = arith.constant 0 : i32
      %dma_wait3A_113 = arith.constant 0 : i32
      %dma_wait3A_114 = tpu.memref_slice %arg2[%dma_wait3A_112, %dma_wait3A_113] : memref<161280x128xf32, #tpu.memory_space<hbm>> -> memref<80x128xf32, #tpu.memory_space<hbm>>
      tpu.wait_dma2 semaphore(%arg12 : memref<!tpu.dma_semaphore, #tpu.memory_space<semaphore_mem>>) src(%dma_wait3A_114 : memref<80x128xf32, #tpu.memory_space<hbm>>) dst(%arg9 : memref<80x128xf32, #tpu.memory_space<vmem>>)
      %dma_start3A_115 = arith.constant 0 : i32
      %dma_start3A_116 = tpu.memref_slice %arg6[%add3A_108, %dma_start3A_115] : memref<21x80xi32, #tpu.memory_space<vmem>> -> memref<1x80xi32, #tpu.memory_space<vmem>>
      %dma_start3A_117 = tpu.memref_squeeze %dma_start3A_116 : memref<1x80xi32, #tpu.memory_space<vmem>> -> memref<80xi32, #tpu.memory_space<vmem>>
      %dma_start3A_118 = arith.constant 0 : i32
      %dma_start3A_119 = arith.constant 0 : i32
      %dma_start3A_120 = tpu.memref_slice %arg10[%dma_start3A_118, %dma_start3A_119] : memref<10240x128xf32, #tpu.memory_space<vmem_shared>> -> memref<10240x128xf32, #tpu.memory_space<vmem_shared>>
      tpu.enqueue_indirect_dma source(%arg9 : memref<80x128xf32, #tpu.memory_space<vmem>>) target(%dma_start3A_120 : memref<10240x128xf32, #tpu.memory_space<vmem_shared>>) offsets(%dma_start3A_117 : memref<80xi32, #tpu.memory_space<vmem>>) semaphore(%arg14 : memref<!tpu.dma_semaphore, #tpu.memory_space<semaphore_mem>>) {add = true}
      %dma_wait3A_121 = arith.constant 0 : i32
      %dma_wait3A_122 = arith.constant 0 : i32
      %dma_wait3A_123 = tpu.memref_slice %arg10[%dma_wait3A_121, %dma_wait3A_122] : memref<10240x128xf32, #tpu.memory_space<vmem_shared>> -> memref<80x128xf32, #tpu.memory_space<vmem_shared>>
      %dma_wait3A_124 = arith.constant 0 : i32
      %dma_wait3A_125 = arith.constant 0 : i32
      %dma_wait3A_126 = tpu.memref_slice %arg10[%dma_wait3A_124, %dma_wait3A_125] : memref<10240x128xf32, #tpu.memory_space<vmem_shared>> -> memref<80x128xf32, #tpu.memory_space<vmem_shared>>
      tpu.wait_dma2 semaphore(%arg13 : memref<!tpu.dma_semaphore, #tpu.memory_space<semaphore_mem>>) src(%arg8 : memref<80x128xf32, #tpu.memory_space<vmem>>) dst(%dma_wait3A_126 : memref<80x128xf32, #tpu.memory_space<vmem_shared>>)
      %add3A_127 = arith.constant 1 : i32
      %add3A_128 = arith.addi %add3A_108, %add3A_127 : i32
      %mul3A_129 = arith.constant 80 : i32
      %mul3A_130 = arith.muli %add3A_128, %mul3A_129 : i32
      %add3A_131 = arith.addi %mul3A_4, %mul3A_130 : i32
      %dma_start3A_132 = arith.constant 0 : i32
      %dma_start3A_133 = tpu.memref_slice %arg2[%add3A_131, %dma_start3A_132] : memref<161280x128xf32, #tpu.memory_space<hbm>> -> memref<80x128xf32, #tpu.memory_space<hbm>>
      %dma_start3A_134 = arith.constant 0 : i32
      %dma_start3A_135 = tpu.memref_slice %arg2[%add3A_131, %dma_start3A_134] : memref<161280x128xf32, #tpu.memory_space<hbm>> -> memref<80x128xf32, #tpu.memory_space<hbm>>
      tpu.enqueue_dma source(%dma_start3A_135 : memref<80x128xf32, #tpu.memory_space<hbm>>) target(%arg8 : memref<80x128xf32, #tpu.memory_space<vmem>>) target_semaphore(%arg11 : memref<!tpu.dma_semaphore, #tpu.memory_space<semaphore_mem>>)
      %mul3A_136 = arith.constant 2 : i32
      %mul3A_137 = arith.muli %mul3A_136, %scan3A_102 : i32
      %add3A_138 = arith.constant 1 : i32
      %add3A_139 = arith.addi %add3A_138, %mul3A_137 : i32
      %add3A_140 = arith.constant 1 : i32
      %add3A_141 = arith.addi %add3A_139, %add3A_140 : i32
      %dma_wait3A_142 = arith.constant 0 : i32
      %dma_wait3A_143 = arith.constant 0 : i32
      %dma_wait3A_144 = tpu.memref_slice %arg2[%dma_wait3A_142, %dma_wait3A_143] : memref<161280x128xf32, #tpu.memory_space<hbm>> -> memref<80x128xf32, #tpu.memory_space<hbm>>
      %dma_wait3A_145 = arith.constant 0 : i32
      %dma_wait3A_146 = arith.constant 0 : i32
      %dma_wait3A_147 = tpu.memref_slice %arg2[%dma_wait3A_145, %dma_wait3A_146] : memref<161280x128xf32, #tpu.memory_space<hbm>> -> memref<80x128xf32, #tpu.memory_space<hbm>>
      tpu.wait_dma2 semaphore(%arg11 : memref<!tpu.dma_semaphore, #tpu.memory_space<semaphore_mem>>) src(%dma_wait3A_147 : memref<80x128xf32, #tpu.memory_space<hbm>>) dst(%arg8 : memref<80x128xf32, #tpu.memory_space<vmem>>)
      %dma_start3A_148 = arith.constant 0 : i32
      %dma_start3A_149 = tpu.memref_slice %arg6[%add3A_141, %dma_start3A_148] : memref<21x80xi32, #tpu.memory_space<vmem>> -> memref<1x80xi32, #tpu.memory_space<vmem>>
      %dma_start3A_150 = tpu.memref_squeeze %dma_start3A_149 : memref<1x80xi32, #tpu.memory_space<vmem>> -> memref<80xi32, #tpu.memory_space<vmem>>
      %dma_start3A_151 = arith.constant 0 : i32
      %dma_start3A_152 = arith.constant 0 : i32
      %dma_start3A_153 = tpu.memref_slice %arg10[%dma_start3A_151, %dma_start3A_152] : memref<10240x128xf32, #tpu.memory_space<vmem_shared>> -> memref<10240x128xf32, #tpu.memory_space<vmem_shared>>
      tpu.enqueue_indirect_dma source(%arg8 : memref<80x128xf32, #tpu.memory_space<vmem>>) target(%dma_start3A_153 : memref<10240x128xf32, #tpu.memory_space<vmem_shared>>) offsets(%dma_start3A_150 : memref<80xi32, #tpu.memory_space<vmem>>) semaphore(%arg13 : memref<!tpu.dma_semaphore, #tpu.memory_space<semaphore_mem>>) {add = true}
      %dma_wait3A_154 = arith.constant 0 : i32
      %dma_wait3A_155 = arith.constant 0 : i32
      %dma_wait3A_156 = tpu.memref_slice %arg10[%dma_wait3A_154, %dma_wait3A_155] : memref<10240x128xf32, #tpu.memory_space<vmem_shared>> -> memref<80x128xf32, #tpu.memory_space<vmem_shared>>
      %dma_wait3A_157 = arith.constant 0 : i32
      %dma_wait3A_158 = arith.constant 0 : i32
      %dma_wait3A_159 = tpu.memref_slice %arg10[%dma_wait3A_157, %dma_wait3A_158] : memref<10240x128xf32, #tpu.memory_space<vmem_shared>> -> memref<80x128xf32, #tpu.memory_space<vmem_shared>>
      tpu.wait_dma2 semaphore(%arg14 : memref<!tpu.dma_semaphore, #tpu.memory_space<semaphore_mem>>) src(%arg9 : memref<80x128xf32, #tpu.memory_space<vmem>>) dst(%dma_wait3A_159 : memref<80x128xf32, #tpu.memory_space<vmem_shared>>)
      %add3A_160 = arith.constant 1 : i32
      %add3A_161 = arith.addi %add3A_141, %add3A_160 : i32
      %mul3A_162 = arith.constant 80 : i32
      %mul3A_163 = arith.muli %add3A_161, %mul3A_162 : i32
      %add3A_164 = arith.addi %mul3A_4, %mul3A_163 : i32
      %dma_start3A_165 = arith.constant 0 : i32
      %dma_start3A_166 = tpu.memref_slice %arg2[%add3A_164, %dma_start3A_165] : memref<161280x128xf32, #tpu.memory_space<hbm>> -> memref<80x128xf32, #tpu.memory_space<hbm>>
      %dma_start3A_167 = arith.constant 0 : i32
      %dma_start3A_168 = tpu.memref_slice %arg2[%add3A_164, %dma_start3A_167] : memref<161280x128xf32, #tpu.memory_space<hbm>> -> memref<80x128xf32, #tpu.memory_space<hbm>>
      tpu.enqueue_dma source(%dma_start3A_168 : memref<80x128xf32, #tpu.memory_space<hbm>>) target(%arg9 : memref<80x128xf32, #tpu.memory_space<vmem>>) target_semaphore(%arg12 : memref<!tpu.dma_semaphore, #tpu.memory_space<semaphore_mem>>)
    }
    %scan3A_32 = arith.constant 10 : i32
    %run_scoped3A_33 = arith.constant 1 : i32
    "tpu.region"() ({
      %run_scoped3A_102 = tpu.sem_alloc : memref<!tpu.dma_semaphore, #tpu.memory_space<semaphore_mem>>
      %dma_start3A_103 = arith.constant 0 : i32
      %dma_start3A_104 = arith.constant 0 : i32
      %dma_start3A_105 = tpu.memref_slice %arg3[%add3A, %run_scoped3A_33, %dma_start3A_103, %dma_start3A_104] : memref<32x3x21x80xi32, #tpu.memory_space<hbm>> -> memref<1x1x21x80xi32, #tpu.memory_space<hbm>>
      %dma_start3A_106 = tpu.memref_squeeze %dma_start3A_105 : memref<1x1x21x80xi32, #tpu.memory_space<hbm>> -> memref<21x80xi32, #tpu.memory_space<hbm>>
      %dma_start3A_107 = arith.constant 0 : i32
      %dma_start3A_108 = arith.constant 0 : i32
      %dma_start3A_109 = tpu.memref_slice %arg3[%add3A, %run_scoped3A_33, %dma_start3A_107, %dma_start3A_108] : memref<32x3x21x80xi32, #tpu.memory_space<hbm>> -> memref<1x1x21x80xi32, #tpu.memory_space<hbm>>
      %dma_start3A_110 = tpu.memref_squeeze %dma_start3A_109 : memref<1x1x21x80xi32, #tpu.memory_space<hbm>> -> memref<21x80xi32, #tpu.memory_space<hbm>>
      tpu.enqueue_dma source(%dma_start3A_110 : memref<21x80xi32, #tpu.memory_space<hbm>>) target(%arg7 : memref<21x80xi32, #tpu.memory_space<vmem>>) target_semaphore(%run_scoped3A_102 : memref<!tpu.dma_semaphore, #tpu.memory_space<semaphore_mem>>)
      %dma_wait3A_111 = arith.constant 0 : i32
      %dma_wait3A_112 = arith.constant 0 : i32
      %dma_wait3A_113 = tpu.memref_slice %arg3[%add3A, %run_scoped3A_33, %dma_wait3A_111, %dma_wait3A_112] : memref<32x3x21x80xi32, #tpu.memory_space<hbm>> -> memref<1x1x21x80xi32, #tpu.memory_space<hbm>>
      %dma_wait3A_114 = tpu.memref_squeeze %dma_wait3A_113 : memref<1x1x21x80xi32, #tpu.memory_space<hbm>> -> memref<21x80xi32, #tpu.memory_space<hbm>>
      %dma_wait3A_115 = arith.constant 0 : i32
      %dma_wait3A_116 = arith.constant 0 : i32
      %dma_wait3A_117 = tpu.memref_slice %arg3[%add3A, %run_scoped3A_33, %dma_wait3A_115, %dma_wait3A_116] : memref<32x3x21x80xi32, #tpu.memory_space<hbm>> -> memref<1x1x21x80xi32, #tpu.memory_space<hbm>>
      %dma_wait3A_118 = tpu.memref_squeeze %dma_wait3A_117 : memref<1x1x21x80xi32, #tpu.memory_space<hbm>> -> memref<21x80xi32, #tpu.memory_space<hbm>>
      tpu.wait_dma2 semaphore(%run_scoped3A_102 : memref<!tpu.dma_semaphore, #tpu.memory_space<semaphore_mem>>) src(%dma_wait3A_118 : memref<21x80xi32, #tpu.memory_space<hbm>>) dst(%arg7 : memref<21x80xi32, #tpu.memory_space<vmem>>)
      tpu.yield
    }) : () -> ()
    %scan3A_34 = arith.constant 0 : i32
    %scan3A_35 = arith.constant 0 : i32
    %scan3A_36 = arith.constant 10 : i32
    %scan3A_37 = arith.addi %scan3A_35, %scan3A_36 : i32
    %scan3A_38 = arith.constant 1 : i32
    scf.for %scan3A_102 = %scan3A_35 to %scan3A_37 step %scan3A_38  : i32 {
      %mul3A_103 = arith.constant 2 : i32
      %mul3A_104 = arith.muli %mul3A_103, %scan3A_102 : i32
      %add3A_105 = arith.constant 0 : i32
      %add3A_106 = arith.addi %mul3A_104, %add3A_105 : i32
      %add3A_107 = arith.constant 21 : i32
      %add3A_108 = arith.addi %add3A_107, %add3A_106 : i32
      %dma_wait3A_109 = arith.constant 0 : i32
      %dma_wait3A_110 = arith.constant 0 : i32
      %dma_wait3A_111 = tpu.memref_slice %arg2[%dma_wait3A_109, %dma_wait3A_110] : memref<161280x128xf32, #tpu.memory_space<hbm>> -> memref<80x128xf32, #tpu.memory_space<hbm>>
      %dma_wait3A_112 = arith.constant 0 : i32
      %dma_wait3A_113 = arith.constant 0 : i32
      %dma_wait3A_114 = tpu.memref_slice %arg2[%dma_wait3A_112, %dma_wait3A_113] : memref<161280x128xf32, #tpu.memory_space<hbm>> -> memref<80x128xf32, #tpu.memory_space<hbm>>
      tpu.wait_dma2 semaphore(%arg12 : memref<!tpu.dma_semaphore, #tpu.memory_space<semaphore_mem>>) src(%dma_wait3A_114 : memref<80x128xf32, #tpu.memory_space<hbm>>) dst(%arg9 : memref<80x128xf32, #tpu.memory_space<vmem>>)
      %dma_start3A_115 = arith.constant 0 : i32
      %dma_start3A_116 = tpu.memref_slice %arg7[%add3A_106, %dma_start3A_115] : memref<21x80xi32, #tpu.memory_space<vmem>> -> memref<1x80xi32, #tpu.memory_space<vmem>>
      %dma_start3A_117 = tpu.memref_squeeze %dma_start3A_116 : memref<1x80xi32, #tpu.memory_space<vmem>> -> memref<80xi32, #tpu.memory_space<vmem>>
      %dma_start3A_118 = arith.constant 0 : i32
      %dma_start3A_119 = arith.constant 0 : i32
      %dma_start3A_120 = tpu.memref_slice %arg10[%dma_start3A_118, %dma_start3A_119] : memref<10240x128xf32, #tpu.memory_space<vmem_shared>> -> memref<10240x128xf32, #tpu.memory_space<vmem_shared>>
      tpu.enqueue_indirect_dma source(%arg9 : memref<80x128xf32, #tpu.memory_space<vmem>>) target(%dma_start3A_120 : memref<10240x128xf32, #tpu.memory_space<vmem_shared>>) offsets(%dma_start3A_117 : memref<80xi32, #tpu.memory_space<vmem>>) semaphore(%arg14 : memref<!tpu.dma_semaphore, #tpu.memory_space<semaphore_mem>>) {add = true}
      %dma_wait3A_121 = arith.constant 0 : i32
      %dma_wait3A_122 = arith.constant 0 : i32
      %dma_wait3A_123 = tpu.memref_slice %arg10[%dma_wait3A_121, %dma_wait3A_122] : memref<10240x128xf32, #tpu.memory_space<vmem_shared>> -> memref<80x128xf32, #tpu.memory_space<vmem_shared>>
      %dma_wait3A_124 = arith.constant 0 : i32
      %dma_wait3A_125 = arith.constant 0 : i32
      %dma_wait3A_126 = tpu.memref_slice %arg10[%dma_wait3A_124, %dma_wait3A_125] : memref<10240x128xf32, #tpu.memory_space<vmem_shared>> -> memref<80x128xf32, #tpu.memory_space<vmem_shared>>
      tpu.wait_dma2 semaphore(%arg13 : memref<!tpu.dma_semaphore, #tpu.memory_space<semaphore_mem>>) src(%arg8 : memref<80x128xf32, #tpu.memory_space<vmem>>) dst(%dma_wait3A_126 : memref<80x128xf32, #tpu.memory_space<vmem_shared>>)
      %add3A_127 = arith.constant 1 : i32
      %add3A_128 = arith.addi %add3A_108, %add3A_127 : i32
      %mul3A_129 = arith.constant 80 : i32
      %mul3A_130 = arith.muli %add3A_128, %mul3A_129 : i32
      %add3A_131 = arith.addi %mul3A_4, %mul3A_130 : i32
      %dma_start3A_132 = arith.constant 0 : i32
      %dma_start3A_133 = tpu.memref_slice %arg2[%add3A_131, %dma_start3A_132] : memref<161280x128xf32, #tpu.memory_space<hbm>> -> memref<80x128xf32, #tpu.memory_space<hbm>>
      %dma_start3A_134 = arith.constant 0 : i32
      %dma_start3A_135 = tpu.memref_slice %arg2[%add3A_131, %dma_start3A_134] : memref<161280x128xf32, #tpu.memory_space<hbm>> -> memref<80x128xf32, #tpu.memory_space<hbm>>
      tpu.enqueue_dma source(%dma_start3A_135 : memref<80x128xf32, #tpu.memory_space<hbm>>) target(%arg8 : memref<80x128xf32, #tpu.memory_space<vmem>>) target_semaphore(%arg11 : memref<!tpu.dma_semaphore, #tpu.memory_space<semaphore_mem>>)
      %mul3A_136 = arith.constant 2 : i32
      %mul3A_137 = arith.muli %mul3A_136, %scan3A_102 : i32
      %add3A_138 = arith.constant 1 : i32
      %add3A_139 = arith.addi %mul3A_137, %add3A_138 : i32
      %add3A_140 = arith.constant 21 : i32
      %add3A_141 = arith.addi %add3A_140, %add3A_139 : i32
      %dma_wait3A_142 = arith.constant 0 : i32
      %dma_wait3A_143 = arith.constant 0 : i32
      %dma_wait3A_144 = tpu.memref_slice %arg2[%dma_wait3A_142, %dma_wait3A_143] : memref<161280x128xf32, #tpu.memory_space<hbm>> -> memref<80x128xf32, #tpu.memory_space<hbm>>
      %dma_wait3A_145 = arith.constant 0 : i32
      %dma_wait3A_146 = arith.constant 0 : i32
      %dma_wait3A_147 = tpu.memref_slice %arg2[%dma_wait3A_145, %dma_wait3A_146] : memref<161280x128xf32, #tpu.memory_space<hbm>> -> memref<80x128xf32, #tpu.memory_space<hbm>>
      tpu.wait_dma2 semaphore(%arg11 : memref<!tpu.dma_semaphore, #tpu.memory_space<semaphore_mem>>) src(%dma_wait3A_147 : memref<80x128xf32, #tpu.memory_space<hbm>>) dst(%arg8 : memref<80x128xf32, #tpu.memory_space<vmem>>)
      %dma_start3A_148 = arith.constant 0 : i32
      %dma_start3A_149 = tpu.memref_slice %arg7[%add3A_139, %dma_start3A_148] : memref<21x80xi32, #tpu.memory_space<vmem>> -> memref<1x80xi32, #tpu.memory_space<vmem>>
      %dma_start3A_150 = tpu.memref_squeeze %dma_start3A_149 : memref<1x80xi32, #tpu.memory_space<vmem>> -> memref<80xi32, #tpu.memory_space<vmem>>
      %dma_start3A_151 = arith.constant 0 : i32
      %dma_start3A_152 = arith.constant 0 : i32
      %dma_start3A_153 = tpu.memref_slice %arg10[%dma_start3A_151, %dma_start3A_152] : memref<10240x128xf32, #tpu.memory_space<vmem_shared>> -> memref<10240x128xf32, #tpu.memory_space<vmem_shared>>
      tpu.enqueue_indirect_dma source(%arg8 : memref<80x128xf32, #tpu.memory_space<vmem>>) target(%dma_start3A_153 : memref<10240x128xf32, #tpu.memory_space<vmem_shared>>) offsets(%dma_start3A_150 : memref<80xi32, #tpu.memory_space<vmem>>) semaphore(%arg13 : memref<!tpu.dma_semaphore, #tpu.memory_space<semaphore_mem>>) {add = true}
      %dma_wait3A_154 = arith.constant 0 : i32
      %dma_wait3A_155 = arith.constant 0 : i32
      %dma_wait3A_156 = tpu.memref_slice %arg10[%dma_wait3A_154, %dma_wait3A_155] : memref<10240x128xf32, #tpu.memory_space<vmem_shared>> -> memref<80x128xf32, #tpu.memory_space<vmem_shared>>
      %dma_wait3A_157 = arith.constant 0 : i32
      %dma_wait3A_158 = arith.constant 0 : i32
      %dma_wait3A_159 = tpu.memref_slice %arg10[%dma_wait3A_157, %dma_wait3A_158] : memref<10240x128xf32, #tpu.memory_space<vmem_shared>> -> memref<80x128xf32, #tpu.memory_space<vmem_shared>>
      tpu.wait_dma2 semaphore(%arg14 : memref<!tpu.dma_semaphore, #tpu.memory_space<semaphore_mem>>) src(%arg9 : memref<80x128xf32, #tpu.memory_space<vmem>>) dst(%dma_wait3A_159 : memref<80x128xf32, #tpu.memory_space<vmem_shared>>)
      %add3A_160 = arith.constant 1 : i32
      %add3A_161 = arith.addi %add3A_141, %add3A_160 : i32
      %mul3A_162 = arith.constant 80 : i32
      %mul3A_163 = arith.muli %add3A_161, %mul3A_162 : i32
      %add3A_164 = arith.addi %mul3A_4, %mul3A_163 : i32
      %dma_start3A_165 = arith.constant 0 : i32
      %dma_start3A_166 = tpu.memref_slice %arg2[%add3A_164, %dma_start3A_165] : memref<161280x128xf32, #tpu.memory_space<hbm>> -> memref<80x128xf32, #tpu.memory_space<hbm>>
      %dma_start3A_167 = arith.constant 0 : i32
      %dma_start3A_168 = tpu.memref_slice %arg2[%add3A_164, %dma_start3A_167] : memref<161280x128xf32, #tpu.memory_space<hbm>> -> memref<80x128xf32, #tpu.memory_space<hbm>>
      tpu.enqueue_dma source(%dma_start3A_168 : memref<80x128xf32, #tpu.memory_space<hbm>>) target(%arg9 : memref<80x128xf32, #tpu.memory_space<vmem>>) target_semaphore(%arg12 : memref<!tpu.dma_semaphore, #tpu.memory_space<semaphore_mem>>)
    }
    %scan3A_39 = arith.constant 10 : i32
    %dma_wait3A_40 = arith.constant 0 : i32
    %dma_wait3A_41 = arith.constant 0 : i32
    %dma_wait3A_42 = tpu.memref_slice %arg2[%dma_wait3A_40, %dma_wait3A_41] : memref<161280x128xf32, #tpu.memory_space<hbm>> -> memref<80x128xf32, #tpu.memory_space<hbm>>
    %dma_wait3A_43 = arith.constant 0 : i32
    %dma_wait3A_44 = arith.constant 0 : i32
    %dma_wait3A_45 = tpu.memref_slice %arg2[%dma_wait3A_43, %dma_wait3A_44] : memref<161280x128xf32, #tpu.memory_space<hbm>> -> memref<80x128xf32, #tpu.memory_space<hbm>>
    tpu.wait_dma2 semaphore(%arg12 : memref<!tpu.dma_semaphore, #tpu.memory_space<semaphore_mem>>) src(%dma_wait3A_45 : memref<80x128xf32, #tpu.memory_space<hbm>>) dst(%arg9 : memref<80x128xf32, #tpu.memory_space<vmem>>)
    %dma_start3A_46 = arith.constant 20 : i32
    %dma_start3A_47 = arith.constant 0 : i32
    %dma_start3A_48 = tpu.memref_slice %arg7[%dma_start3A_46, %dma_start3A_47] : memref<21x80xi32, #tpu.memory_space<vmem>> -> memref<1x80xi32, #tpu.memory_space<vmem>>
    %dma_start3A_49 = tpu.memref_squeeze %dma_start3A_48 : memref<1x80xi32, #tpu.memory_space<vmem>> -> memref<80xi32, #tpu.memory_space<vmem>>
    %dma_start3A_50 = arith.constant 0 : i32
    %dma_start3A_51 = arith.constant 0 : i32
    %dma_start3A_52 = tpu.memref_slice %arg10[%dma_start3A_50, %dma_start3A_51] : memref<10240x128xf32, #tpu.memory_space<vmem_shared>> -> memref<10240x128xf32, #tpu.memory_space<vmem_shared>>
    tpu.enqueue_indirect_dma source(%arg9 : memref<80x128xf32, #tpu.memory_space<vmem>>) target(%dma_start3A_52 : memref<10240x128xf32, #tpu.memory_space<vmem_shared>>) offsets(%dma_start3A_49 : memref<80xi32, #tpu.memory_space<vmem>>) semaphore(%arg14 : memref<!tpu.dma_semaphore, #tpu.memory_space<semaphore_mem>>) {add = true}
    %dma_wait3A_53 = arith.constant 0 : i32
    %dma_wait3A_54 = arith.constant 0 : i32
    %dma_wait3A_55 = tpu.memref_slice %arg10[%dma_wait3A_53, %dma_wait3A_54] : memref<10240x128xf32, #tpu.memory_space<vmem_shared>> -> memref<80x128xf32, #tpu.memory_space<vmem_shared>>
    %dma_wait3A_56 = arith.constant 0 : i32
    %dma_wait3A_57 = arith.constant 0 : i32
    %dma_wait3A_58 = tpu.memref_slice %arg10[%dma_wait3A_56, %dma_wait3A_57] : memref<10240x128xf32, #tpu.memory_space<vmem_shared>> -> memref<80x128xf32, #tpu.memory_space<vmem_shared>>
    tpu.wait_dma2 semaphore(%arg13 : memref<!tpu.dma_semaphore, #tpu.memory_space<semaphore_mem>>) src(%arg8 : memref<80x128xf32, #tpu.memory_space<vmem>>) dst(%dma_wait3A_58 : memref<80x128xf32, #tpu.memory_space<vmem_shared>>)
    %add3A_59 = arith.constant 3360 : i32
    %add3A_60 = arith.addi %mul3A_4, %add3A_59 : i32
    %dma_start3A_61 = arith.constant 0 : i32
    %dma_start3A_62 = tpu.memref_slice %arg2[%add3A_60, %dma_start3A_61] : memref<161280x128xf32, #tpu.memory_space<hbm>> -> memref<80x128xf32, #tpu.memory_space<hbm>>
    %dma_start3A_63 = arith.constant 0 : i32
    %dma_start3A_64 = tpu.memref_slice %arg2[%add3A_60, %dma_start3A_63] : memref<161280x128xf32, #tpu.memory_space<hbm>> -> memref<80x128xf32, #tpu.memory_space<hbm>>
    tpu.enqueue_dma source(%dma_start3A_64 : memref<80x128xf32, #tpu.memory_space<hbm>>) target(%arg8 : memref<80x128xf32, #tpu.memory_space<vmem>>) target_semaphore(%arg11 : memref<!tpu.dma_semaphore, #tpu.memory_space<semaphore_mem>>)
    %run_scoped3A_65 = arith.constant 2 : i32
    "tpu.region"() ({
      %run_scoped3A_102 = tpu.sem_alloc : memref<!tpu.dma_semaphore, #tpu.memory_space<semaphore_mem>>
      %dma_start3A_103 = arith.constant 0 : i32
      %dma_start3A_104 = arith.constant 0 : i32
      %dma_start3A_105 = tpu.memref_slice %arg3[%add3A, %run_scoped3A_65, %dma_start3A_103, %dma_start3A_104] : memref<32x3x21x80xi32, #tpu.memory_space<hbm>> -> memref<1x1x21x80xi32, #tpu.memory_space<hbm>>
      %dma_start3A_106 = tpu.memref_squeeze %dma_start3A_105 : memref<1x1x21x80xi32, #tpu.memory_space<hbm>> -> memref<21x80xi32, #tpu.memory_space<hbm>>
      %dma_start3A_107 = arith.constant 0 : i32
      %dma_start3A_108 = arith.constant 0 : i32
      %dma_start3A_109 = tpu.memref_slice %arg3[%add3A, %run_scoped3A_65, %dma_start3A_107, %dma_start3A_108] : memref<32x3x21x80xi32, #tpu.memory_space<hbm>> -> memref<1x1x21x80xi32, #tpu.memory_space<hbm>>
      %dma_start3A_110 = tpu.memref_squeeze %dma_start3A_109 : memref<1x1x21x80xi32, #tpu.memory_space<hbm>> -> memref<21x80xi32, #tpu.memory_space<hbm>>
      tpu.enqueue_dma source(%dma_start3A_110 : memref<21x80xi32, #tpu.memory_space<hbm>>) target(%arg6 : memref<21x80xi32, #tpu.memory_space<vmem>>) target_semaphore(%run_scoped3A_102 : memref<!tpu.dma_semaphore, #tpu.memory_space<semaphore_mem>>)
      %dma_wait3A_111 = arith.constant 0 : i32
      %dma_wait3A_112 = arith.constant 0 : i32
      %dma_wait3A_113 = tpu.memref_slice %arg3[%add3A, %run_scoped3A_65, %dma_wait3A_111, %dma_wait3A_112] : memref<32x3x21x80xi32, #tpu.memory_space<hbm>> -> memref<1x1x21x80xi32, #tpu.memory_space<hbm>>
      %dma_wait3A_114 = tpu.memref_squeeze %dma_wait3A_113 : memref<1x1x21x80xi32, #tpu.memory_space<hbm>> -> memref<21x80xi32, #tpu.memory_space<hbm>>
      %dma_wait3A_115 = arith.constant 0 : i32
      %dma_wait3A_116 = arith.constant 0 : i32
      %dma_wait3A_117 = tpu.memref_slice %arg3[%add3A, %run_scoped3A_65, %dma_wait3A_115, %dma_wait3A_116] : memref<32x3x21x80xi32, #tpu.memory_space<hbm>> -> memref<1x1x21x80xi32, #tpu.memory_space<hbm>>
      %dma_wait3A_118 = tpu.memref_squeeze %dma_wait3A_117 : memref<1x1x21x80xi32, #tpu.memory_space<hbm>> -> memref<21x80xi32, #tpu.memory_space<hbm>>
      tpu.wait_dma2 semaphore(%run_scoped3A_102 : memref<!tpu.dma_semaphore, #tpu.memory_space<semaphore_mem>>) src(%dma_wait3A_118 : memref<21x80xi32, #tpu.memory_space<hbm>>) dst(%arg6 : memref<21x80xi32, #tpu.memory_space<vmem>>)
      tpu.yield
    }) : () -> ()
    %scan3A_66 = arith.constant 0 : i32
    %scan3A_67 = arith.constant 0 : i32
    %scan3A_68 = arith.constant 10 : i32
    %scan3A_69 = arith.addi %scan3A_67, %scan3A_68 : i32
    %scan3A_70 = arith.constant 1 : i32
    scf.for %scan3A_102 = %scan3A_67 to %scan3A_69 step %scan3A_70  : i32 {
      %mul3A_103 = arith.constant 2 : i32
      %mul3A_104 = arith.muli %mul3A_103, %scan3A_102 : i32
      %add3A_105 = arith.constant 0 : i32
      %add3A_106 = arith.addi %mul3A_104, %add3A_105 : i32
      %add3A_107 = arith.constant 42 : i32
      %add3A_108 = arith.addi %add3A_107, %add3A_106 : i32
      %dma_wait3A_109 = arith.constant 0 : i32
      %dma_wait3A_110 = arith.constant 0 : i32
      %dma_wait3A_111 = tpu.memref_slice %arg2[%dma_wait3A_109, %dma_wait3A_110] : memref<161280x128xf32, #tpu.memory_space<hbm>> -> memref<80x128xf32, #tpu.memory_space<hbm>>
      %dma_wait3A_112 = arith.constant 0 : i32
      %dma_wait3A_113 = arith.constant 0 : i32
      %dma_wait3A_114 = tpu.memref_slice %arg2[%dma_wait3A_112, %dma_wait3A_113] : memref<161280x128xf32, #tpu.memory_space<hbm>> -> memref<80x128xf32, #tpu.memory_space<hbm>>
      tpu.wait_dma2 semaphore(%arg11 : memref<!tpu.dma_semaphore, #tpu.memory_space<semaphore_mem>>) src(%dma_wait3A_114 : memref<80x128xf32, #tpu.memory_space<hbm>>) dst(%arg8 : memref<80x128xf32, #tpu.memory_space<vmem>>)
      %dma_start3A_115 = arith.constant 0 : i32
      %dma_start3A_116 = tpu.memref_slice %arg6[%add3A_106, %dma_start3A_115] : memref<21x80xi32, #tpu.memory_space<vmem>> -> memref<1x80xi32, #tpu.memory_space<vmem>>
      %dma_start3A_117 = tpu.memref_squeeze %dma_start3A_116 : memref<1x80xi32, #tpu.memory_space<vmem>> -> memref<80xi32, #tpu.memory_space<vmem>>
      %dma_start3A_118 = arith.constant 0 : i32
      %dma_start3A_119 = arith.constant 0 : i32
      %dma_start3A_120 = tpu.memref_slice %arg10[%dma_start3A_118, %dma_start3A_119] : memref<10240x128xf32, #tpu.memory_space<vmem_shared>> -> memref<10240x128xf32, #tpu.memory_space<vmem_shared>>
      tpu.enqueue_indirect_dma source(%arg8 : memref<80x128xf32, #tpu.memory_space<vmem>>) target(%dma_start3A_120 : memref<10240x128xf32, #tpu.memory_space<vmem_shared>>) offsets(%dma_start3A_117 : memref<80xi32, #tpu.memory_space<vmem>>) semaphore(%arg13 : memref<!tpu.dma_semaphore, #tpu.memory_space<semaphore_mem>>) {add = true}
      %dma_wait3A_121 = arith.constant 0 : i32
      %dma_wait3A_122 = arith.constant 0 : i32
      %dma_wait3A_123 = tpu.memref_slice %arg10[%dma_wait3A_121, %dma_wait3A_122] : memref<10240x128xf32, #tpu.memory_space<vmem_shared>> -> memref<80x128xf32, #tpu.memory_space<vmem_shared>>
      %dma_wait3A_124 = arith.constant 0 : i32
      %dma_wait3A_125 = arith.constant 0 : i32
      %dma_wait3A_126 = tpu.memref_slice %arg10[%dma_wait3A_124, %dma_wait3A_125] : memref<10240x128xf32, #tpu.memory_space<vmem_shared>> -> memref<80x128xf32, #tpu.memory_space<vmem_shared>>
      tpu.wait_dma2 semaphore(%arg14 : memref<!tpu.dma_semaphore, #tpu.memory_space<semaphore_mem>>) src(%arg9 : memref<80x128xf32, #tpu.memory_space<vmem>>) dst(%dma_wait3A_126 : memref<80x128xf32, #tpu.memory_space<vmem_shared>>)
      %add3A_127 = arith.constant 1 : i32
      %add3A_128 = arith.addi %add3A_108, %add3A_127 : i32
      %mul3A_129 = arith.constant 80 : i32
      %mul3A_130 = arith.muli %add3A_128, %mul3A_129 : i32
      %add3A_131 = arith.addi %mul3A_4, %mul3A_130 : i32
      %dma_start3A_132 = arith.constant 0 : i32
      %dma_start3A_133 = tpu.memref_slice %arg2[%add3A_131, %dma_start3A_132] : memref<161280x128xf32, #tpu.memory_space<hbm>> -> memref<80x128xf32, #tpu.memory_space<hbm>>
      %dma_start3A_134 = arith.constant 0 : i32
      %dma_start3A_135 = tpu.memref_slice %arg2[%add3A_131, %dma_start3A_134] : memref<161280x128xf32, #tpu.memory_space<hbm>> -> memref<80x128xf32, #tpu.memory_space<hbm>>
      tpu.enqueue_dma source(%dma_start3A_135 : memref<80x128xf32, #tpu.memory_space<hbm>>) target(%arg9 : memref<80x128xf32, #tpu.memory_space<vmem>>) target_semaphore(%arg12 : memref<!tpu.dma_semaphore, #tpu.memory_space<semaphore_mem>>)
      %mul3A_136 = arith.constant 2 : i32
      %mul3A_137 = arith.muli %mul3A_136, %scan3A_102 : i32
      %add3A_138 = arith.constant 1 : i32
      %add3A_139 = arith.addi %mul3A_137, %add3A_138 : i32
      %add3A_140 = arith.constant 42 : i32
      %add3A_141 = arith.addi %add3A_140, %add3A_139 : i32
      %dma_wait3A_142 = arith.constant 0 : i32
      %dma_wait3A_143 = arith.constant 0 : i32
      %dma_wait3A_144 = tpu.memref_slice %arg2[%dma_wait3A_142, %dma_wait3A_143] : memref<161280x128xf32, #tpu.memory_space<hbm>> -> memref<80x128xf32, #tpu.memory_space<hbm>>
      %dma_wait3A_145 = arith.constant 0 : i32
      %dma_wait3A_146 = arith.constant 0 : i32
      %dma_wait3A_147 = tpu.memref_slice %arg2[%dma_wait3A_145, %dma_wait3A_146] : memref<161280x128xf32, #tpu.memory_space<hbm>> -> memref<80x128xf32, #tpu.memory_space<hbm>>
      tpu.wait_dma2 semaphore(%arg12 : memref<!tpu.dma_semaphore, #tpu.memory_space<semaphore_mem>>) src(%dma_wait3A_147 : memref<80x128xf32, #tpu.memory_space<hbm>>) dst(%arg9 : memref<80x128xf32, #tpu.memory_space<vmem>>)
      %dma_start3A_148 = arith.constant 0 : i32
      %dma_start3A_149 = tpu.memref_slice %arg6[%add3A_139, %dma_start3A_148] : memref<21x80xi32, #tpu.memory_space<vmem>> -> memref<1x80xi32, #tpu.memory_space<vmem>>
      %dma_start3A_150 = tpu.memref_squeeze %dma_start3A_149 : memref<1x80xi32, #tpu.memory_space<vmem>> -> memref<80xi32, #tpu.memory_space<vmem>>
      %dma_start3A_151 = arith.constant 0 : i32
      %dma_start3A_152 = arith.constant 0 : i32
      %dma_start3A_153 = tpu.memref_slice %arg10[%dma_start3A_151, %dma_start3A_152] : memref<10240x128xf32, #tpu.memory_space<vmem_shared>> -> memref<10240x128xf32, #tpu.memory_space<vmem_shared>>
      tpu.enqueue_indirect_dma source(%arg9 : memref<80x128xf32, #tpu.memory_space<vmem>>) target(%dma_start3A_153 : memref<10240x128xf32, #tpu.memory_space<vmem_shared>>) offsets(%dma_start3A_150 : memref<80xi32, #tpu.memory_space<vmem>>) semaphore(%arg14 : memref<!tpu.dma_semaphore, #tpu.memory_space<semaphore_mem>>) {add = true}
      %dma_wait3A_154 = arith.constant 0 : i32
      %dma_wait3A_155 = arith.constant 0 : i32
      %dma_wait3A_156 = tpu.memref_slice %arg10[%dma_wait3A_154, %dma_wait3A_155] : memref<10240x128xf32, #tpu.memory_space<vmem_shared>> -> memref<80x128xf32, #tpu.memory_space<vmem_shared>>
      %dma_wait3A_157 = arith.constant 0 : i32
      %dma_wait3A_158 = arith.constant 0 : i32
      %dma_wait3A_159 = tpu.memref_slice %arg10[%dma_wait3A_157, %dma_wait3A_158] : memref<10240x128xf32, #tpu.memory_space<vmem_shared>> -> memref<80x128xf32, #tpu.memory_space<vmem_shared>>
      tpu.wait_dma2 semaphore(%arg13 : memref<!tpu.dma_semaphore, #tpu.memory_space<semaphore_mem>>) src(%arg8 : memref<80x128xf32, #tpu.memory_space<vmem>>) dst(%dma_wait3A_159 : memref<80x128xf32, #tpu.memory_space<vmem_shared>>)
      %add3A_160 = arith.constant 1 : i32
      %add3A_161 = arith.addi %add3A_141, %add3A_160 : i32
      %mul3A_162 = arith.constant 80 : i32
      %mul3A_163 = arith.muli %add3A_161, %mul3A_162 : i32
      %add3A_164 = arith.addi %mul3A_4, %mul3A_163 : i32
      %dma_start3A_165 = arith.constant 0 : i32
      %dma_start3A_166 = tpu.memref_slice %arg2[%add3A_164, %dma_start3A_165] : memref<161280x128xf32, #tpu.memory_space<hbm>> -> memref<80x128xf32, #tpu.memory_space<hbm>>
      %dma_start3A_167 = arith.constant 0 : i32
      %dma_start3A_168 = tpu.memref_slice %arg2[%add3A_164, %dma_start3A_167] : memref<161280x128xf32, #tpu.memory_space<hbm>> -> memref<80x128xf32, #tpu.memory_space<hbm>>
      tpu.enqueue_dma source(%dma_start3A_168 : memref<80x128xf32, #tpu.memory_space<hbm>>) target(%arg8 : memref<80x128xf32, #tpu.memory_space<vmem>>) target_semaphore(%arg11 : memref<!tpu.dma_semaphore, #tpu.memory_space<semaphore_mem>>)
    }
    %scan3A_71 = arith.constant 10 : i32
    %dma_wait3A_72 = arith.constant 0 : i32
    %dma_wait3A_73 = arith.constant 0 : i32
    %dma_wait3A_74 = tpu.memref_slice %arg2[%dma_wait3A_72, %dma_wait3A_73] : memref<161280x128xf32, #tpu.memory_space<hbm>> -> memref<80x128xf32, #tpu.memory_space<hbm>>
    %dma_wait3A_75 = arith.constant 0 : i32
    %dma_wait3A_76 = arith.constant 0 : i32
    %dma_wait3A_77 = tpu.memref_slice %arg2[%dma_wait3A_75, %dma_wait3A_76] : memref<161280x128xf32, #tpu.memory_space<hbm>> -> memref<80x128xf32, #tpu.memory_space<hbm>>
    tpu.wait_dma2 semaphore(%arg11 : memref<!tpu.dma_semaphore, #tpu.memory_space<semaphore_mem>>) src(%dma_wait3A_77 : memref<80x128xf32, #tpu.memory_space<hbm>>) dst(%arg8 : memref<80x128xf32, #tpu.memory_space<vmem>>)
    %dma_start3A_78 = arith.constant 20 : i32
    %dma_start3A_79 = arith.constant 0 : i32
    %dma_start3A_80 = tpu.memref_slice %arg6[%dma_start3A_78, %dma_start3A_79] : memref<21x80xi32, #tpu.memory_space<vmem>> -> memref<1x80xi32, #tpu.memory_space<vmem>>
    %dma_start3A_81 = tpu.memref_squeeze %dma_start3A_80 : memref<1x80xi32, #tpu.memory_space<vmem>> -> memref<80xi32, #tpu.memory_space<vmem>>
    %dma_start3A_82 = arith.constant 0 : i32
    %dma_start3A_83 = arith.constant 0 : i32
    %dma_start3A_84 = tpu.memref_slice %arg10[%dma_start3A_82, %dma_start3A_83] : memref<10240x128xf32, #tpu.memory_space<vmem_shared>> -> memref<10240x128xf32, #tpu.memory_space<vmem_shared>>
    tpu.enqueue_indirect_dma source(%arg8 : memref<80x128xf32, #tpu.memory_space<vmem>>) target(%dma_start3A_84 : memref<10240x128xf32, #tpu.memory_space<vmem_shared>>) offsets(%dma_start3A_81 : memref<80xi32, #tpu.memory_space<vmem>>) semaphore(%arg13 : memref<!tpu.dma_semaphore, #tpu.memory_space<semaphore_mem>>) {add = true}
    %dma_wait3A_85 = arith.constant 0 : i32
    %dma_wait3A_86 = arith.constant 0 : i32
    %dma_wait3A_87 = tpu.memref_slice %arg10[%dma_wait3A_85, %dma_wait3A_86] : memref<10240x128xf32, #tpu.memory_space<vmem_shared>> -> memref<80x128xf32, #tpu.memory_space<vmem_shared>>
    %dma_wait3A_88 = arith.constant 0 : i32
    %dma_wait3A_89 = arith.constant 0 : i32
    %dma_wait3A_90 = tpu.memref_slice %arg10[%dma_wait3A_88, %dma_wait3A_89] : memref<10240x128xf32, #tpu.memory_space<vmem_shared>> -> memref<80x128xf32, #tpu.memory_space<vmem_shared>>
    tpu.wait_dma2 semaphore(%arg14 : memref<!tpu.dma_semaphore, #tpu.memory_space<semaphore_mem>>) src(%arg9 : memref<80x128xf32, #tpu.memory_space<vmem>>) dst(%dma_wait3A_90 : memref<80x128xf32, #tpu.memory_space<vmem_shared>>)
    %dma_wait3A_91 = arith.constant 0 : i32
    %dma_wait3A_92 = arith.constant 0 : i32
    %dma_wait3A_93 = tpu.memref_slice %arg10[%dma_wait3A_91, %dma_wait3A_92] : memref<10240x128xf32, #tpu.memory_space<vmem_shared>> -> memref<80x128xf32, #tpu.memory_space<vmem_shared>>
    %dma_wait3A_94 = arith.constant 0 : i32
    %dma_wait3A_95 = arith.constant 0 : i32
    %dma_wait3A_96 = tpu.memref_slice %arg10[%dma_wait3A_94, %dma_wait3A_95] : memref<10240x128xf32, #tpu.memory_space<vmem_shared>> -> memref<80x128xf32, #tpu.memory_space<vmem_shared>>
    tpu.wait_dma2 semaphore(%arg13 : memref<!tpu.dma_semaphore, #tpu.memory_space<semaphore_mem>>) src(%arg8 : memref<80x128xf32, #tpu.memory_space<vmem>>) dst(%dma_wait3A_96 : memref<80x128xf32, #tpu.memory_space<vmem_shared>>)
    %barrier3A_97 = arith.constant 0 : index
    tpu.barrier barrier_id(%barrier3A_97)
    %mul3A_98 = arith.constant 640 : i32
    %mul3A_99 = arith.muli %arg1, %mul3A_98 : i32
    %mul3A_100 = arith.constant 640 : i32
    %mul3A_101 = arith.muli %arg1, %mul3A_100 : i32
    "tpu.region"() ({
      %run_scoped3A_102 = tpu.sem_alloc : memref<!tpu.dma_semaphore, #tpu.memory_space<semaphore_mem>>
      %dma_start3A_103 = arith.constant 0 : i32
      %dma_start3A_104 = arith.constant 0 : i32
      %dma_start3A_105 = tpu.memref_slice %arg5[%arg0, %dma_start3A_103, %dma_start3A_104] : memref<2x10240x128xf32, #tpu.memory_space<hbm>> -> memref<1x10240x128xf32, #tpu.memory_space<hbm>>
      %dma_start3A_106 = tpu.memref_squeeze %dma_start3A_105 : memref<1x10240x128xf32, #tpu.memory_space<hbm>> -> memref<10240x128xf32, #tpu.memory_space<hbm>>
      %dma_start3A_107 = arith.constant 0 : i32
      %dma_start3A_108 = tpu.memref_slice %dma_start3A_106[%mul3A_101, %dma_start3A_107] : memref<10240x128xf32, #tpu.memory_space<hbm>> -> memref<640x128xf32, #tpu.memory_space<hbm>>
      %dma_start3A_109 = arith.constant 0 : i32
      %dma_start3A_110 = tpu.memref_slice %arg10[%mul3A_99, %dma_start3A_109] : memref<10240x128xf32, #tpu.memory_space<vmem_shared>> -> memref<640x128xf32, #tpu.memory_space<vmem_shared>>
      tpu.enqueue_dma source(%dma_start3A_110 : memref<640x128xf32, #tpu.memory_space<vmem_shared>>) target(%dma_start3A_108 : memref<640x128xf32, #tpu.memory_space<hbm>>) target_semaphore(%run_scoped3A_102 : memref<!tpu.dma_semaphore, #tpu.memory_space<semaphore_mem>>)
      %dma_wait3A_111 = arith.constant 0 : i32
      %dma_wait3A_112 = arith.constant 0 : i32
      %dma_wait3A_113 = tpu.memref_slice %arg5[%arg0, %dma_wait3A_111, %dma_wait3A_112] : memref<2x10240x128xf32, #tpu.memory_space<hbm>> -> memref<1x10240x128xf32, #tpu.memory_space<hbm>>
      %dma_wait3A_114 = tpu.memref_squeeze %dma_wait3A_113 : memref<1x10240x128xf32, #tpu.memory_space<hbm>> -> memref<10240x128xf32, #tpu.memory_space<hbm>>
      %dma_wait3A_115 = arith.constant 0 : i32
      %dma_wait3A_116 = tpu.memref_slice %dma_wait3A_114[%mul3A_101, %dma_wait3A_115] : memref<10240x128xf32, #tpu.memory_space<hbm>> -> memref<640x128xf32, #tpu.memory_space<hbm>>
      %dma_wait3A_117 = arith.constant 0 : i32
      %dma_wait3A_118 = tpu.memref_slice %arg10[%mul3A_99, %dma_wait3A_117] : memref<10240x128xf32, #tpu.memory_space<vmem_shared>> -> memref<640x128xf32, #tpu.memory_space<vmem_shared>>
      tpu.wait_dma2 semaphore(%run_scoped3A_102 : memref<!tpu.dma_semaphore, #tpu.memory_space<semaphore_mem>>) src(%dma_wait3A_118 : memref<640x128xf32, #tpu.memory_space<vmem_shared>>) dst(%dma_wait3A_116 : memref<640x128xf32, #tpu.memory_space<hbm>>)
      tpu.yield
    }) : () -> ()
    return
  }
}

module attributes {stable_mosaic.version = 14 : i64} {
  func.func @_mlp_block_kernel(%arg0: i32, %arg1: memref<2560x128xf32, #tpu.memory_space<vmem>>, %arg2: memref<128x128xf32, #tpu.memory_space<vmem>>, %arg3: memref<1x128xf32, #tpu.memory_space<vmem>>, %arg4: memref<2560x128xf32, #tpu.memory_space<vmem>>) attributes {dimension_semantics = [#tpu.dimension_semantics<arbitrary>], iteration_bounds = array<i64: 62>, scalar_prefetch = 0 : i64, scratch_operands = 0 : i64, tpu.core_type = #tpu.core_type<tc>, window_params = [{transform_indices = @transform_0, window_bounds = array<i64: 2560, 128>}, {pipeline_mode = #tpu.pipeline_mode<synchronous>, transform_indices = @transform_1, window_bounds = array<i64: 128, 128>}, {pipeline_mode = #tpu.pipeline_mode<synchronous>, transform_indices = @transform_2, window_bounds = array<i64: 1, 128>}, {transform_indices = @transform_3, window_bounds = array<i64: 2560, 128>}]} {
    %get3A = arith.constant 0 : index
    %get3A_0 = arith.constant 0 : index
    %get3A_1 = vector.load %arg1[%get3A, %get3A_0] : memref<2560x128xf32, #tpu.memory_space<vmem>>, vector<2560x128xf32>
    %get3A_2 = arith.constant 0 : index
    %get3A_3 = arith.constant 0 : index
    %get3A_4 = vector.load %arg2[%get3A_2, %get3A_3] : memref<128x128xf32, #tpu.memory_space<vmem>>, vector<128x128xf32>
    %dot_general3A = arith.constant dense<0.000000e+00> : vector<2560x128xf32>
    %dot_general3A_5 = tpu.matmul %get3A_1, %get3A_4, %dot_general3A {dimension_numbers = #tpu.dot_dimension_numbers<[1], [0], [0], [1], [0, 0, 1, 1], [], []>, transpose_lhs_hint = false} : vector<2560x128xf32>, vector<128x128xf32>, vector<2560x128xf32> -> vector<2560x128xf32>
    %get3A_6 = arith.constant 0 : index
    %get3A_7 = arith.constant 0 : index
    %get3A_8 = vector.load %arg3[%get3A_6, %get3A_7] : memref<1x128xf32, #tpu.memory_space<vmem>>, vector<1x128xf32>
    %add3A = vector.broadcast %get3A_8 : vector<1x128xf32> to vector<2560x128xf32>
    %add3A_9 = arith.addf %dot_general3A_5, %add3A : vector<2560x128xf32>
    %max3A = arith.constant 0.000000e+00 : f32
    %max3A_10 = vector.broadcast %max3A : f32 to vector<2560x128xf32>
    %max3A_11 = arith.maximumf %add3A_9, %max3A_10 : vector<2560x128xf32>
    %logistic3A = arith.negf %max3A_11 : vector<2560x128xf32>
    %logistic3A_12 = math.exp %logistic3A : vector<2560x128xf32>
    %logistic3A_13 = arith.constant 1.000000e+00 : f32
    %logistic3A_14 = vector.broadcast %logistic3A_13 : f32 to vector<2560x128xf32>
    %logistic3A_15 = arith.addf %logistic3A_14, %logistic3A_12 : vector<2560x128xf32>
    %logistic3A_16 = arith.divf %logistic3A_14, %logistic3A_15 : vector<2560x128xf32>
    %swap3A = arith.constant 0 : index
    %swap3A_17 = arith.constant 0 : index
    %swap3A_18 = vector.load %arg4[%swap3A, %swap3A_17] : memref<2560x128xf32, #tpu.memory_space<vmem>>, vector<2560x128xf32>
    tpu.vector_store %arg4[%swap3A, %swap3A_17], %logistic3A_16 {strides = array<i32>} : memref<2560x128xf32, #tpu.memory_space<vmem>>, vector<2560x128xf32>,
    return
  }
  func.func @transform_0(%arg0: i32) -> (i32, i32) {
    %add3A = arith.constant 63 : i32
    %add3A_0 = arith.addi %add3A, %arg0 : i32
    %c0_i32 = arith.constant 0 : i32
    %c0_i32_1 = arith.constant 0 : i32
    return %add3A_0, %c0_i32 : i32, i32
  }
  func.func @transform_1(%arg0: i32) -> (i32, i32) {
    %c0_i32 = arith.constant 0 : i32
    %c0_i32_0 = arith.constant 0 : i32
    %c0_i32_1 = arith.constant 0 : i32
    return %c0_i32, %c0_i32_0 : i32, i32
  }
  func.func @transform_2(%arg0: i32) -> (i32, i32) {
    %c0_i32 = arith.constant 0 : i32
    %c0_i32_0 = arith.constant 0 : i32
    %c0_i32_1 = arith.constant 0 : i32
    return %c0_i32, %c0_i32_0 : i32, i32
  }
  func.func @transform_3(%arg0: i32) -> (i32, i32) {
    %c0_i32 = arith.constant 0 : i32
    %c0_i32_0 = arith.constant 0 : i32
    return %arg0, %c0_i32 : i32, i32
  }
}

module attributes {stable_mosaic.version = 14 : i64} {
  func.func @_mlp_block_kernel(%arg0: i32, %arg1: memref<2560x128xf32, #tpu.memory_space<vmem>>, %arg2: memref<128x128xf32, #tpu.memory_space<vmem>>, %arg3: memref<1x128xf32, #tpu.memory_space<vmem>>, %arg4: memref<2560x128xf32, #tpu.memory_space<vmem>>) attributes {dimension_semantics = [#tpu.dimension_semantics<arbitrary>], iteration_bounds = array<i64: 63>, scalar_prefetch = 0 : i64, scratch_operands = 0 : i64, tpu.core_type = #tpu.core_type<tc>, window_params = [{transform_indices = @transform_0, window_bounds = array<i64: 2560, 128>}, {pipeline_mode = #tpu.pipeline_mode<synchronous>, transform_indices = @transform_1, window_bounds = array<i64: 128, 128>}, {pipeline_mode = #tpu.pipeline_mode<synchronous>, transform_indices = @transform_2, window_bounds = array<i64: 1, 128>}, {transform_indices = @transform_3, window_bounds = array<i64: 2560, 128>}]} {
    %get3A = arith.constant 0 : index
    %get3A_0 = arith.constant 0 : index
    %get3A_1 = vector.load %arg1[%get3A, %get3A_0] : memref<2560x128xf32, #tpu.memory_space<vmem>>, vector<2560x128xf32>
    %get3A_2 = arith.constant 0 : index
    %get3A_3 = arith.constant 0 : index
    %get3A_4 = vector.load %arg2[%get3A_2, %get3A_3] : memref<128x128xf32, #tpu.memory_space<vmem>>, vector<128x128xf32>
    %dot_general3A = arith.constant dense<0.000000e+00> : vector<2560x128xf32>
    %dot_general3A_5 = tpu.matmul %get3A_1, %get3A_4, %dot_general3A {dimension_numbers = #tpu.dot_dimension_numbers<[1], [0], [0], [1], [0, 0, 1, 1], [], []>, transpose_lhs_hint = false} : vector<2560x128xf32>, vector<128x128xf32>, vector<2560x128xf32> -> vector<2560x128xf32>
    %get3A_6 = arith.constant 0 : index
    %get3A_7 = arith.constant 0 : index
    %get3A_8 = vector.load %arg3[%get3A_6, %get3A_7] : memref<1x128xf32, #tpu.memory_space<vmem>>, vector<1x128xf32>
    %add3A = vector.broadcast %get3A_8 : vector<1x128xf32> to vector<2560x128xf32>
    %add3A_9 = arith.addf %dot_general3A_5, %add3A : vector<2560x128xf32>
    %max3A = arith.constant 0.000000e+00 : f32
    %max3A_10 = vector.broadcast %max3A : f32 to vector<2560x128xf32>
    %max3A_11 = arith.maximumf %add3A_9, %max3A_10 : vector<2560x128xf32>
    %logistic3A = arith.negf %max3A_11 : vector<2560x128xf32>
    %logistic3A_12 = math.exp %logistic3A : vector<2560x128xf32>
    %logistic3A_13 = arith.constant 1.000000e+00 : f32
    %logistic3A_14 = vector.broadcast %logistic3A_13 : f32 to vector<2560x128xf32>
    %logistic3A_15 = arith.addf %logistic3A_14, %logistic3A_12 : vector<2560x128xf32>
    %logistic3A_16 = arith.divf %logistic3A_14, %logistic3A_15 : vector<2560x128xf32>
    %swap3A = arith.constant 0 : index
    %swap3A_17 = arith.constant 0 : index
    %swap3A_18 = vector.load %arg4[%swap3A, %swap3A_17] : memref<2560x128xf32, #tpu.memory_space<vmem>>, vector<2560x128xf32>
    tpu.vector_store %arg4[%swap3A, %swap3A_17], %logistic3A_16 {strides = array<i32>} : memref<2560x128xf32, #tpu.memory_space<vmem>>, vector<2560x128xf32>,
    return
  }
  func.func @transform_0(%arg0: i32) -> (i32, i32) {
    %add3A = arith.constant 0 : i32
    %add3A_0 = arith.addi %add3A, %arg0 : i32
    %c0_i32 = arith.constant 0 : i32
    %c0_i32_1 = arith.constant 0 : i32
    return %add3A_0, %c0_i32 : i32, i32
  }
  func.func @transform_1(%arg0: i32) -> (i32, i32) {
    %c0_i32 = arith.constant 0 : i32
    %c0_i32_0 = arith.constant 0 : i32
    %c0_i32_1 = arith.constant 0 : i32
    return %c0_i32, %c0_i32_0 : i32, i32
  }
  func.func @transform_2(%arg0: i32) -> (i32, i32) {
    %c0_i32 = arith.constant 0 : i32
    %c0_i32_0 = arith.constant 0 : i32
    %c0_i32_1 = arith.constant 0 : i32
    return %c0_i32, %c0_i32_0 : i32, i32
  }
  func.func @transform_3(%arg0: i32) -> (i32, i32) {
    %c0_i32 = arith.constant 0 : i32
    %c0_i32_0 = arith.constant 0 : i32
    return %arg0, %c0_i32 : i32, i32
  }
}

module attributes {stable_mosaic.version = 14 : i64} {
  func.func @_sum_mlp_kernel(%arg0: i32, %arg1: memref<2x2000x128xf32, #tpu.memory_space<vmem>>, %arg2: memref<128x128xf32, #tpu.memory_space<vmem>>, %arg3: memref<1x128xf32, #tpu.memory_space<vmem>>, %arg4: memref<2000x128xf32, #tpu.memory_space<vmem>>) attributes {dimension_semantics = [#tpu.dimension_semantics<arbitrary>], iteration_bounds = array<i64: 5>, scalar_prefetch = 0 : i64, scratch_operands = 0 : i64, tpu.core_type = #tpu.core_type<tc>, window_params = [{transform_indices = @transform_0, window_bounds = array<i64: 2, 2000, 128>}, {pipeline_mode = #tpu.pipeline_mode<synchronous>, transform_indices = @transform_1, window_bounds = array<i64: 128, 128>}, {pipeline_mode = #tpu.pipeline_mode<synchronous>, transform_indices = @transform_2, window_bounds = array<i64: 1, 128>}, {transform_indices = @transform_3, window_bounds = array<i64: 2000, 128>}]} {
    %get3A = arith.constant 0 : index
    %get3A_0 = arith.constant 0 : index
    %get3A_1 = arith.constant 0 : index
    %get3A_2 = vector.load %arg1[%get3A, %get3A_0, %get3A_1] : memref<2x2000x128xf32, #tpu.memory_space<vmem>>, vector<1x2000x128xf32>
    %get3A_3 = vector.shape_cast %get3A_2 : vector<1x2000x128xf32> to vector<2000x128xf32>
    %get3A_4 = arith.constant 1 : index
    %get3A_5 = arith.constant 0 : index
    %get3A_6 = arith.constant 0 : index
    %get3A_7 = vector.load %arg1[%get3A_4, %get3A_5, %get3A_6] : memref<2x2000x128xf32, #tpu.memory_space<vmem>>, vector<1x2000x128xf32>
    %get3A_8 = vector.shape_cast %get3A_7 : vector<1x2000x128xf32> to vector<2000x128xf32>
    %add3A = arith.addf %get3A_3, %get3A_8 : vector<2000x128xf32>
    %get3A_9 = arith.constant 0 : index
    %get3A_10 = arith.constant 0 : index
    %get3A_11 = vector.load %arg2[%get3A_9, %get3A_10] : memref<128x128xf32, #tpu.memory_space<vmem>>, vector<128x128xf32>
    %dot_general3A = arith.constant dense<0.000000e+00> : vector<2000x128xf32>
    %dot_general3A_12 = tpu.matmul %add3A, %get3A_11, %dot_general3A {dimension_numbers = #tpu.dot_dimension_numbers<[1], [0], [0], [1], [0, 0, 1, 1], [], []>, transpose_lhs_hint = false} : vector<2000x128xf32>, vector<128x128xf32>, vector<2000x128xf32> -> vector<2000x128xf32>
    %get3A_13 = arith.constant 0 : index
    %get3A_14 = arith.constant 0 : index
    %get3A_15 = vector.load %arg3[%get3A_13, %get3A_14] : memref<1x128xf32, #tpu.memory_space<vmem>>, vector<1x128xf32>
    %add3A_16 = vector.broadcast %get3A_15 : vector<1x128xf32> to vector<2000x128xf32>
    %add3A_17 = arith.addf %dot_general3A_12, %add3A_16 : vector<2000x128xf32>
    %max3A = arith.constant 0.000000e+00 : f32
    %max3A_18 = vector.broadcast %max3A : f32 to vector<2000x128xf32>
    %max3A_19 = arith.maximumf %add3A_17, %max3A_18 : vector<2000x128xf32>
    %logistic3A = arith.negf %max3A_19 : vector<2000x128xf32>
    %logistic3A_20 = math.exp %logistic3A : vector<2000x128xf32>
    %logistic3A_21 = arith.constant 1.000000e+00 : f32
    %logistic3A_22 = vector.broadcast %logistic3A_21 : f32 to vector<2000x128xf32>
    %logistic3A_23 = arith.addf %logistic3A_22, %logistic3A_20 : vector<2000x128xf32>
    %logistic3A_24 = arith.divf %logistic3A_22, %logistic3A_23 : vector<2000x128xf32>
    %swap3A = arith.constant 0 : index
    %swap3A_25 = arith.constant 0 : index
    %swap3A_26 = vector.load %arg4[%swap3A, %swap3A_25] : memref<2000x128xf32, #tpu.memory_space<vmem>>, vector<2000x128xf32>
    tpu.vector_store %arg4[%swap3A, %swap3A_25], %logistic3A_24 {strides = array<i32>} : memref<2000x128xf32, #tpu.memory_space<vmem>>, vector<2000x128xf32>,
    return
  }
  func.func @transform_0(%arg0: i32) -> (i32, i32, i32) {
    %c0_i32 = arith.constant 0 : i32
    %c0_i32_0 = arith.constant 0 : i32
    %c0_i32_1 = arith.constant 0 : i32
    return %c0_i32, %arg0, %c0_i32_0 : i32, i32, i32
  }
  func.func @transform_1(%arg0: i32) -> (i32, i32) {
    %c0_i32 = arith.constant 0 : i32
    %c0_i32_0 = arith.constant 0 : i32
    %c0_i32_1 = arith.constant 0 : i32
    return %c0_i32, %c0_i32_0 : i32, i32
  }
  func.func @transform_2(%arg0: i32) -> (i32, i32) {
    %c0_i32 = arith.constant 0 : i32
    %c0_i32_0 = arith.constant 0 : i32
    %c0_i32_1 = arith.constant 0 : i32
    return %c0_i32, %c0_i32_0 : i32, i32
  }
  func.func @transform_3(%arg0: i32) -> (i32, i32) {
    %c0_i32 = arith.constant 0 : i32
    %c0_i32_0 = arith.constant 0 : i32
    return %arg0, %c0_i32 : i32, i32
  }
}

</mosaic_0001>

<sc_bundles>
// kernel: kernel.10.cloned.1.call-start
scs
__scs_entry_jumppad:
0x0: {  	(pc) =	sbr.rel $0x88, $3  }
0x1: {  	(tag) =	ssettag $0x0;
	lr =	simm.s32 $0x1  }
0x2: {  	[smem:$0x3F9B] =	sst lr;
	_ =	strace $0xD0000000  }
0x3: {  	_ = 	snop  }
0x4: {  	_ = 	snop  }
0x5: {  	_ = 	snop  }
0x6: {  	_ = 	snop  }
0x7: {  	_ = 	snop  }
__scs_overlays_trampoline_lowered:
0x8: {  	[smem:$0x3FAA] =	sst s0  }
0x9: {  	[smem:$0x3FAB] =	sst s1  }
0xa: {  	[smem:$0x3FAC] =	sst s2  }
0xb: {  	[smem:$0x3FAD] =	sst s3  }
0xc: {  	[smem:$0x3FAE] =	sst s4  }
0xd: {  	[smem:$0x3FAF] =	sst s5  }
0xe: {  	[smem:$0x3FB0] =	sst s6  }
0xf: {  	[smem:$0x3FB1] =	sst s7  }
0x10: {  	[smem:$0x3FB2] =	sst s8  }
0x11: {  	[smem:$0x3FB3] =	sst s9;
	s0 =	simm.s32 @!p0 $0x0  }
0x12: {  	s1 =	sld [smem:$0x3F99];
	s0 =	simm.s32 @p0 $0x1  }
0x13: {  	[smem:$0x3FB4] =	sst s0;
	s0 =	simm.s32 @!p1 $0x0  }
0x14: {  	s2 =	sld [smem:$0x3F98];
	s0 =	simm.s32 @p1 $0x1  }
0x15: {  	[smem:$0x3FB5] =	sst s0;
	s0 =	simm.s32 @!p2 $0x0  }
0x16: {  	s3 =	sld [smem:$0x3FDB];
	s0 =	simm.s32 @p2 $0x1  }
0x17: {  	s4 =	simm.s32 $0x1BF5;
	[smem:$0x3FB7] =	sst s0  }
0x18: {  	s0 =	sld [smem:$0x3F9A];
	_ =	swait.ge [sflag:s4], $0x0  }
0x19: {  	s7 =	sld [smem:$0x3F9B]  }
0x1a: {  	s8 =	sadd.s32 $0xFFFFE003, lr  }
0x1b: {  	s9 =	sadd.s32 $0xFFFFFEF7, lr;
	s5 =	simm.s32 $0xFFFFFFFF;
	p2 =	slt.u32 s8, $0xFFFFF086  }
0x1c: {  	p1 =	slt.u32 s9, $0xF7A;
	s5 =	simm.s32 @!p2 $0x0  }
0x1d: {  	s5 =	simm.s32 @p1 $0x1;
	p0 =	seq.s32 s7, s2  }
0x1e: {  	s7 =	smul.u32 @!p0 $0xF7A, s2;
	p2 =	seq.s32 @!p0 s5, $0x0  }
0x1f: {  	s9 =	smul.u32 $0xF7A, s1;
	s8 =	simm.s32 @!p0 $0x1BF5;
	p2 =	por !p2, p0  }
0x20: {  	[sflag:s8] =	ssyncset.s32 @!p0 $0xFFFFF086;
	s6 =	sadd.s32 @!p0 s3, s7;
	s7 =	simm.s32 @!p0 $0x108  }
0x21: {  	s3 =	sadd.s32 s3, s9;
	s6 =	sadd.s32 @!p0 $0x88, s6;
	s7 =	simm.s32 @p2 $0x1082  }
0x22: {  	[simem:s7], [sflag:s8] =	dma.local @!p0 [hbm:s6], $0xF7A  }
0x23: {  	s9 =	sor.u32 $0xD0000000, s2;
	s6 =	simm.s32 $0x108;
	_ =	swait.ge @!p0 [sflag:s8], $0x0  }
0x24: {  	s3 =	sadd.s32 $0x88, s3;
	s6 =	simm.s32 @!p1 $0x1082;
	[sflag:s4] =	ssyncset.s32 $0xFFFFF086  }
0x25: {  	[simem:s6], [sflag:s4] =	dma.local [hbm:s3], $0xF7A  }
0x26: {  	[smem:$0x3F9B] =	sst s1;
	(tag) =	ssettag s2;
	_ =	strace s9  }
0x27: {  	s1 =	sld [smem:$0x3FAB]  }
0x28: {  	s2 =	sld [smem:$0x3FAC]  }
0x29: {  	s4 =	sld [smem:$0x3FAE]  }
0x2a: {  	p0 =	seq.s32 s5, $0x0;
	s5 =	sld [smem:$0x3FAF]  }
0x2b: {  	s6 =	sld [smem:$0x3FB0]  }
0x2c: {  	s7 =	sld [smem:$0x3FB1]  }
0x2d: {  	s3 =	simm.s32 $0x108;
	s8 =	sld [smem:$0x3FB2]  }
0x2e: {  	s3 =	simm.s32 @!p0 $0x1082;
	s9 =	sld [smem:$0x3FB3]  }
0x2f: {  	lr =	sadd.s32 s0, s3;
	s0 =	sld [smem:$0x3FAA]  }
0x30: {  	s3 =	sld [smem:$0x3FAD]  }
0x31: {  	[smem:$0x3FB6] =	sst s10  }
0x32: {  	s10 =	sld [smem:$0x3FB4];
	_ =	sdelay $0x3  }
0x33: {  	p0 =	seq.s32 s10, $0x1;
	s10 =	sld [smem:$0x3FB6];
	_ =	sdelay $0x3  }
0x34: {  	[smem:$0x3FB6] =	sst s10  }
0x35: {  	s10 =	sld [smem:$0x3FB5];
	_ =	sdelay $0x3  }
0x36: {  	p1 =	seq.s32 s10, $0x1;
	s10 =	sld [smem:$0x3FB6];
	_ =	sdelay $0x3  }
0x37: {  	[smem:$0x3FB6] =	sst s10  }
0x38: {  	s10 =	sld [smem:$0x3FB7]  }
0x39: {  	_ = 	snop;
	(pc) =	sbr.ind lr, $3  }
0x3a: {  	_ = 	snop  }
0x3b: {  	_ = 	snop  }
0x3c: {  	p2 =	seq.s32 s10, $0x1;
	s10 =	sld [smem:$0x3FB6]  }
0x3d: {  	_ =	shalt  }
0x3e: {  	_ =	shalt  }
0x3f: {  	_ =	shalt  }
0x40: {  	_ =	shalt  }
0x41: {  	_ =	shalt  }
0x42: {  	_ =	shalt  }
0x43: {  	_ =	shalt  }
0x44: {  	_ =	shalt  }
0x45: {  	_ =	shalt  }
0x46: {  	_ =	shalt  }
0x47: {  	_ =	shalt  }
0x48: {  	_ =	shalt  }
0x49: {  	_ =	shalt  }
0x4a: {  	_ =	shalt  }
0x4b: {  	_ =	shalt  }
0x4c: {  	_ =	shalt  }
0x4d: {  	_ =	shalt  }
0x4e: {  	_ =	shalt  }
0x4f: {  	_ =	shalt  }
0x50: {  	_ =	shalt  }
0x51: {  	_ =	shalt  }
0x52: {  	_ =	shalt  }
0x53: {  	_ =	shalt  }
0x54: {  	_ =	shalt  }
0x55: {  	_ =	shalt  }
0x56: {  	_ =	shalt  }
0x57: {  	_ =	shalt  }
0x58: {  	_ =	shalt  }
0x59: {  	_ =	shalt  }
0x5a: {  	_ =	shalt  }
0x5b: {  	_ =	shalt  }
0x5c: {  	_ =	shalt  }
0x5d: {  	_ =	shalt  }
0x5e: {  	_ =	shalt  }
0x5f: {  	_ =	shalt  }
0x60: {  	_ =	shalt  }
0x61: {  	_ =	shalt  }
0x62: {  	_ =	shalt  }
0x63: {  	_ =	shalt  }
0x64: {  	_ =	shalt  }
0x65: {  	_ =	shalt  }
0x66: {  	_ =	shalt  }
0x67: {  	_ =	shalt  }
0x68: {  	_ =	shalt  }
0x69: {  	_ =	shalt  }
0x6a: {  	_ =	shalt  }
0x6b: {  	_ =	shalt  }
0x6c: {  	_ =	shalt  }
0x6d: {  	_ =	shalt  }
0x6e: {  	_ =	shalt  }
0x6f: {  	_ =	shalt  }
0x70: {  	_ =	shalt  }
0x71: {  	_ =	shalt  }
0x72: {  	_ =	shalt  }
0x73: {  	_ =	shalt  }
0x74: {  	_ =	shalt  }
0x75: {  	_ =	shalt  }
0x76: {  	_ =	shalt  }
0x77: {  	_ =	shalt  }
0x78: {  	_ =	shalt  }
0x79: {  	_ =	shalt  }
0x7a: {  	_ =	shalt  }
0x7b: {  	_ =	shalt  }
0x7c: {  	_ =	shalt  }
0x7d: {  	_ =	shalt  }
0x7e: {  	_ =	shalt  }
0x7f: {  	_ =	shalt  }
0x80: {  	_ =	shalt  }
0x81: {  	_ =	shalt  }
0x82: {  	_ =	shalt  }
0x83: {  	_ =	shalt  }
0x84: {  	_ =	shalt  }
0x85: {  	_ =	shalt  }
0x86: {  	_ =	shalt  }
0x87: {  	_ =	shalt  }
.Lfunc_end0:
.L_simem_size_0:
called_computation.1_lowered:
.L_overlay_start_0:
0x88: {  	s2 =	sld [smem:$0x3FD9]  }
0x89: {  	s3 =	sld [smem:$0x3FFE];
	_ =	sdelay $0x1  }
0x8a: {  	s1 =	srdreg.scid  }
0x8b: {  	s0 =	sand.u32 $0x1, s1  }
0x8c: {  	s16 =	sshll.u32 s0, $0xA;
	s2 =	sadd.s32 s3, s2  }
0x8d: {  	s2 =	sadd.s32 s2, s16  }
0x8e: {  	[smem:$0x3FC2] =	sst s2  }
0x8f: {  	_ = 	snop  }
0x90: {  	(tm) =	ssettm $0x1  }
0x91: {  	s17 =	sld [smem:$0x3FFB];
	_ =	sdelay $0x3  }
0x92: {  	_ =	strace s17  }
0x93: {  	s2 =	sld [smem:$0x3FFC];
	_ =	sdelay $0x3  }
0x94: {  	_ =	strace s2  }
0x95: {  	s2 =	sld [smem:$0x3FFD];
	_ =	sdelay $0x3  }
0x96: {  	_ =	strace s2  }
0x97: {  	_ =	strace $0x8FFFFFFF  }
0x98: {  	s18 =	sld [smem:$0x3FDB];
	_ =	sdelay $0x1  }
0x99: {  	s19 =	simm.s32 $_scs_section_size  }
0x9a: {  	s4 =	simm.s32 $_size__tile_overlayer_lowered;
	s5 =	simm.s32 $_tile_overlayer_lowered  }
0x9b: {  	s22 =	simm.s32 $0x1BFF;
	s21 =	sshll.u32 s5, $0x1;
	s2 =	sadd.s32 s19, s18  }
0x9c: {  	s6 =	simm.s32 $0x0;
	s20 =	sshll.u32 s4, $0x1;
	s4 =	sadd.s32 s21, s2  }
0x9d: {  	[timem:s6], [sflag:s22] =	dma.local [hbm:s4], s20  }
0x9e: {  	_ =	swait.ge [sflag:s22], s20  }
0x9f: {  	s3 =	ssub.s32 $0x0, s20;
	[sflag:s22] =	ssyncset.done $0x0  }
0xa0: {  	[sflag:s22] =	ssyncadd.s32 s3;
	_ =	sdelay $0x1  }
0xa1: {  	s23 =	simm.s32 $0x1B8B  }
0xa2: {  	_ =	swait.ge [sflag:s23], $0x1  }
0xa3: {  	[sflag:s23] =	ssyncset.done $0x0  }
0xa4: {  	s25 =	simm.s32 $0x1B8E;
	s24 =	sld [smem:$0x3FFE];
	[sflag:s23] =	ssyncadd.s32 $0xFFFFFFFF  }
0xa5: {  	s26 =	simm.s32 $execute0_lowered;
	[smem:$0x3FD2] =	sst s25  }
0xa6: {  	s4 =	sshll.u32 s26, $0x1;
	_ =	strace $0x80000049;
	[dreg:$0x1] =	wrdreg $0xFFFFFFFF  }
0xa7: {  	s28 =	simm.s32 $_size_execute0_lowered;
	s2 =	sadd.s32 s2, s4;
	[dreg:$0x0] =	wrdreg $0x0  }
0xa8: {  	s4 =	sshll.u32 s28, $0x1;
	[dreg:$0x2] =	wrdreg s2  }
0xa9: {  	[dreg:$0x3] =	wrdreg s4  }
0xaa: {  	[dreg:$0x4] =	wrdreg $0xC0  }
0xab: {  	_ =	task [dreg:s6], $0x5FFFF  }
0xac: {  	[dreg:$0x1] =	wrdreg $0xFFFFFFFF  }
0xad: {  	[dreg:$0x0] =	wrdreg $0x60  }
0xae: {  	[dreg:$0x2] =	wrdreg s24  }
0xaf: {  	[dreg:$0x3] =	wrdreg $0x70000  }
0xb0: {  	[dreg:$0x4] =	wrdreg $0x9  }
0xb1: {  	_ =	task.clear_ibuf [dreg:s6], $0x5FFFF;
	_ =	strace $0x90000049  }
0xb2: {  	s29 =	simm.s32 $0x9;
	_ =	strace $0x8000004B  }
0xb3: {  	_ =	swait.ge [sflag:s29], $0x1  }
0xb4: {  	[sflag:s29] =	ssyncadd.s32 $0xFFFFFFFF  }
0xb5: {  	_ =	strace $0x9000004B  }
0xb6: {  	_ =	sfence  }
0xb7: {  	s30 =	sld [smem:$0x0];
	_ =	sdelay $0x2  }
0xb8: {  	s31 =	sshll.u32 s1, $0xD;
	s1 =	sshrl.u32 s1, $0x2  }
0xb9: {  	s3 =	sand.u32 $0x4000, s31;
	s1 =	sadd.s32 s1, s30  }
0xba: {  	s0 =	sor.u32 s3, s0;
	s1 =	sshll.u32 s1, $0x11  }
0xbb: {  	s0 =	sor.u32 s1, s0  }
0xbc: {  	s0 =	sadd.s32 $0x8F2B, s0  }
0xbd: {  	[sflag:s0] =	ssyncadd.remote.s32 $0x1  }
0xbe: {  	_ =	sfence.sel $0xFFFF  }
0xbf: {  	[dreg:$0x0] =	wrdreg $0xFFFFFFFF;
	(pc) =	sbr.abs _section_cstart, $3  }
0xc0: {  	[dreg:$0x1] =	wrdreg $0xFFFFFFFF  }
0xc1: {  	_ =	task.clear_ibuf [dreg:s6], $0x2FFFF;
	_ =	strace $0x9FFFFFFF  }
0xc2: {  	(tm) =	ssettm $0x7FFFFFFF  }
0xc3: {  	_ =	shalt  }
tec
execute0_lowered:
.L_overlay_start_1:
0x0: {  	(tag) =	ssettag $0x1  }
0x1: {  	s4 =	rddreg [dreg:$0x0]  }
0x2: {  	s1 =	rddreg [dreg:$0x1]  }
0x3: {  	s0 =	rddreg [dreg:$0x2];
	s2 =	simm.s32 $0x0  }
0x4: {  	s3 =	srdreg.scid;
	s17 =	simm.s32 $0x50;
	s18 =	simm.s32 $0x4800  }
0x5: {  	s19 =	simm.s32 $0x2;
	[smem:$0x7FF] =	sst s2;
	s6 =	sand.u32 $0x1, s3  }
0x6: {  	s3 =	stileid.u32;
	s9 =	sadd.s32 $0x2C9200, s4;
	s7 =	smul.u32 $0x28000, s6  }
0x7: {  	s20 =	simm.s32 $0x3;
	_ =	strace $0x8000004A;
	s11 =	smul.u32 $0x50000, s3  }
0x8: {  	s5 =	sshll.u32 s6, $0x4;
	s10 =	ssub.s32 $0x2, s6;
	s24 =	smul.u32 $0x2800, s3  }
0x9: {  	s26 =	sshll.u32 s3, $0x6;
	s29 =	smul.u32 $0x136000, s6;
	s5 =	sor.u32 s3, s5  }
0xa: {  	s16 =	smul.u32 $0x13600, s3;
	s21 =	sshrl.u32 s10, $0x1;
	s8 =	sshll.u32 s5, $0xA  }
0xb: {  	s13 =	sadd.s32 s7, s4;
	s14 =	ssub.s32 s10, s21;
	s25 =	smul.u32 $0x9B000, s5  }
0xc: {  	s22 =	sshrl.u32 s11, $0x2;
	s28 =	smul.u32 $0x13600, s5;
	s5 =	sor.u32 $0x1C05, s26  }
0xd: {  	s31 =	sadd.s32 s29, s9;
	s21 =	simm.s32 $0x4;
	s12 =	sadd.s32 s8, s4  }
0xe: {  	s15 =	sadd.s32 s22, s1;
	s23 =	sadd.s32 s24, s13;
	s10 =	sadd.s32 s16, s31  }
0xf: {  	s11 =	smax.u32 s14, $0x1;
	s14 =	simm.s32 $0x5;
	s16 =	simm.s32 $0x1  }
0x10: {  	s22 =	simm.s32 $0x1000;
	s4 =	sadd.s32 $0x279200, s23;
	s7 =	sshrl.u32 s25, $0x3  }
0x11: {  	s6 =	sadd.s32 $0x535200, s12;
	s25 =	sadd.s32 $0xA00, s13;
	s13 =	sshrl.u32 s15, $0x3  }
0x12: {  	s15 =	simm.s32 $0x2000;
	s23 =	simm.s32 $0x1F00;
	s30 =	sadd.s32 s9, s7  }
0x13: {  	s7 =	sadd.s32 s9, s28;
	s9 =	sadd.s32 $0x535400, s12;
	s12 =	sadd.s32 $0xA500, s10  }
0x14: {  	s24 =	sadd.s32 s24, s25;
	s25 =	simm.s32 $0x0;
	s8 =	sadd.s32 $0x500, s30  }
.LBB2_1:
0x15: {  	[spmem:s13], [sflag:s5] =	dma.local [hbm:s4], $0x2800  }
0x16: {  	_ =	swait.ge [sflag:s14], $0x2800  }
0x17: {  	[sflag:s14] =	ssyncset.done $0x0  }
0x18: {  	[sflag:s14] =	ssyncadd.s32 $0xFFFFD800  }
0x19: {  	[bflag:$0x0] =	sbarrier.arrive $0xFFFF  }
0x1a: {  	[tilespmem:s2], [sflag:$0x5] =	stream.linear.gather [hbm4b:s6+s2], $0xF80, $0x38;
	[tilespmem:$0x1B000] =	vst v63  }
0x1b: {  	_ =	swait.ge [sflag:s14], $0xF80  }
0x1c: {  	[sflag:s14] =	ssyncset.done $0x0  }
0x1d: {  	[sflag:s14] =	ssyncadd.s32 $0xFFFFF080  }
0x1e: {  	[tilespmem:s15], [sflag:$0x1] =	stream.linear.gather [hbm4b:s7+s2], $0x2800, $0x38;
	[tilespmem:$0x1B000] =	vst v63  }
0x1f: {  	_ =	swait.ge [sflag:s16], $0x2800  }
0x20: {  	[sflag:s16] =	ssyncset.done $0x0  }
0x21: {  	[sflag:s16] =	ssyncadd.s32 $0xFFFFD800  }
0x22: {  	[spmem:s1] =	stream.indirect.scatter.add.f32 [tilespmem:s15], [sflag:$0x3], $0x80, s2, s17, $0xb8;
	[tilespmem:$0x1B000] =	vst v63  }
0x23: {  	_ = 	snop  }
0x24: {  	[tilespmem:s18], [sflag:$0x2] =	stream.linear.gather [hbm4b:s8+s2], $0x2800, $0x38;
	[tilespmem:$0x1B000] =	vst v63  }
0x25: {  	_ =	swait.ge [sflag:s19], $0x2800  }
0x26: {  	[sflag:s19] =	ssyncset.done $0x0  }
0x27: {  	s26 =	simm.s32 $0x80;
	[sflag:s19] =	ssyncadd.s32 $0xFFFFD800  }
0x28: {  	[spmem:s1] =	stream.indirect.scatter.add.f32 [tilespmem:s18], [sflag:$0x4], $0x80, s26, s17, $0xb8;
	[tilespmem:$0x1B000] =	vst v63  }
0x29: {  	_ =	swait.ge [sflag:s20], $0x2800  }
0x2a: {  	s28 =	sadd.s32 $0x0, s10;
	[sflag:s20] =	ssyncset.done $0x0  }
0x2b: {  	s30 =	sadd.s32 $0xA00, s28;
	[sflag:s20] =	ssyncadd.s32 $0xFFFFD800  }
0x2c: {  	[tilespmem:s15], [sflag:$0x1] =	stream.linear.gather [hbm4b:s30+s2], $0x2800, $0x38;
	[tilespmem:$0x1B000] =	vst v63  }
0x2d: {  	_ =	swait.ge [sflag:s16], $0x2800  }
0x2e: {  	[sflag:s16] =	ssyncset.done $0x0  }
0x2f: {  	s31 =	simm.s32 $0x100;
	[sflag:s16] =	ssyncadd.s32 $0xFFFFD800  }
0x30: {  	[spmem:s1] =	stream.indirect.scatter.add.f32 [tilespmem:s15], [sflag:$0x3], $0x80, s31, s17, $0xb8;
	[tilespmem:$0x1B000] =	vst v63  }
0x31: {  	_ =	swait.ge [sflag:s21], $0x2800  }
0x32: {  	s29 =	sadd.s32 $0xF00, s28;
	[sflag:s21] =	ssyncset.done $0x0  }
0x33: {  	s28 =	simm.s32 $0x180;
	s26 =	simm.s32 $0xA00;
	[sflag:s21] =	ssyncadd.s32 $0xFFFFD800  }
.LBB2_2:
0x34: {  	[tilespmem:s18], [sflag:$0x2] =	stream.linear.gather [hbm4b:s29+s2], $0x2800, $0x38;
	[tilespmem:$0x1B000] =	vst v63  }
0x35: {  	s29 =	smov.u32 s26  }
0x36: {  	p0 =	sne.s32 s26, $0x8C00;
	s26 =	sadd.s32 $0xA00, s26;
	_ =	swait.ge [sflag:s19], $0x2800  }
0x37: {  	[sflag:s19] =	ssyncset.done $0x0  }
0x38: {  	[sflag:s19] =	ssyncadd.s32 $0xFFFFD800  }
0x39: {  	[spmem:s1] =	stream.indirect.scatter.add.f32 [tilespmem:s18], [sflag:$0x4], $0x80, s28, s17, $0xb8;
	[tilespmem:$0x1B000] =	vst v63  }
0x3a: {  	_ =	swait.ge [sflag:s20], $0x2800  }
0x3b: {  	s29 =	sadd.s32 s29, s10;
	[sflag:s20] =	ssyncset.done $0x0  }
0x3c: {  	s30 =	sadd.s32 $0xA00, s29;
	[sflag:s20] =	ssyncadd.s32 $0xFFFFD800  }
0x3d: {  	[tilespmem:s15], [sflag:$0x1] =	stream.linear.gather [hbm4b:s30+s2], $0x2800, $0x38;
	[tilespmem:$0x1B000] =	vst v63  }
0x3e: {  	_ =	swait.ge [sflag:s16], $0x2800  }
0x3f: {  	[sflag:s16] =	ssyncset.done $0x0  }
.Ltmp0:
0x40: {  	s30 =	sadd.s32 $0x80, s28;
	[sflag:s16] =	ssyncadd.s32 $0xFFFFD800;
	(pc) =	sbr.rel @p0 .LBB2_2-.Ltmp0, $4  }
0x41: {  	[spmem:s1] =	stream.indirect.scatter.add.f32 [tilespmem:s15], [sflag:$0x3], $0x80, s30, s17, $0xb8;
	[tilespmem:$0x1B000] =	vst v63  }
0x42: {  	_ =	swait.ge [sflag:s21], $0x2800  }
0x43: {  	[sflag:s21] =	ssyncset.done $0x0  }
0x44: {  	s29 =	sadd.s32 $0xF00, s29;
	s28 =	sadd.s32 $0x100, s28;
	[sflag:s21] =	ssyncadd.s32 $0xFFFFD800  }
0x45: {  	[tilespmem:s18], [sflag:$0x2] =	stream.linear.gather [hbm4b:s29+s2], $0x2800, $0x38;
	[tilespmem:$0x1B000] =	vst v63  }
0x46: {  	s26 =	simm.s32 $0x0  }
0x47: {  	[tilespmem:s22], [sflag:$0x5] =	stream.linear.gather [hbm4b:s9+s26], $0xF80, $0x38;
	[tilespmem:$0x1B000] =	vst v63  }
0x48: {  	_ =	swait.ge [sflag:s14], $0xF80  }
0x49: {  	[sflag:s14] =	ssyncset.done $0x0  }
0x4a: {  	[sflag:s14] =	ssyncadd.s32 $0xFFFFF080  }
0x4b: {  	_ =	swait.ge [sflag:s19], $0x2800  }
0x4c: {  	[sflag:s19] =	ssyncset.done $0x0  }
0x4d: {  	s31 =	simm.s32 $0x1000;
	[sflag:s19] =	ssyncadd.s32 $0xFFFFD800  }
0x4e: {  	[spmem:s1] =	stream.indirect.scatter.add.f32 [tilespmem:s18], [sflag:$0x4], $0x80, s31, s17, $0xb8;
	[tilespmem:$0x1B000] =	vst v63  }
0x4f: {  	_ =	swait.ge [sflag:s20], $0x2800  }
0x50: {  	[sflag:s20] =	ssyncset.done $0x0  }
0x51: {  	s30 =	sadd.s32 $0xFFFFFB00, s12;
	[sflag:s20] =	ssyncadd.s32 $0xFFFFD800  }
0x52: {  	[tilespmem:s15], [sflag:$0x1] =	stream.linear.gather [hbm4b:s30+s2], $0x2800, $0x38;
	[tilespmem:$0x1B000] =	vst v63  }
0x53: {  	_ =	swait.ge [sflag:s16], $0x2800  }
0x54: {  	[sflag:s16] =	ssyncset.done $0x0  }
0x55: {  	s31 =	simm.s32 $0x1080;
	[sflag:s16] =	ssyncadd.s32 $0xFFFFD800  }
0x56: {  	[spmem:s1] =	stream.indirect.scatter.add.f32 [tilespmem:s15], [sflag:$0x3], $0x80, s31, s17, $0xb8;
	[tilespmem:$0x1B000] =	vst v63  }
0x57: {  	_ =	swait.ge [sflag:s21], $0x2800  }
0x58: {  	s28 =	sadd.s32 $0xA00, s12;
	[sflag:s21] =	ssyncset.done $0x0  }
0x59: {  	s29 =	smov.u32 s12;
	s26 =	simm.s32 $0x400;
	[sflag:s21] =	ssyncadd.s32 $0xFFFFD800  }
.LBB2_4:
0x5a: {  	[tilespmem:s18], [sflag:$0x2] =	stream.linear.gather [hbm4b:s29+s2], $0x2800, $0x38;
	[tilespmem:$0x1B000] =	vst v63  }
0x5b: {  	s30 =	smov.u32 s26;
	s29 =	smov.u32 s28  }
0x5c: {  	p0 =	sne.s32 s26, $0x3800;
	s26 =	sadd.s32 $0x400, s26;
	_ =	swait.ge [sflag:s19], $0x2800  }
0x5d: {  	s30 =	sshra.s32 s30, $0x2;
	[sflag:s19] =	ssyncset.done $0x0  }
0x5e: {  	s31 =	sadd.s32 $0x1000, s30;
	[sflag:s19] =	ssyncadd.s32 $0xFFFFD800  }
0x5f: {  	[spmem:s1] =	stream.indirect.scatter.add.f32 [tilespmem:s18], [sflag:$0x4], $0x80, s31, s17, $0xb8;
	[tilespmem:$0x1B000] =	vst v63  }
0x60: {  	_ =	swait.ge [sflag:s20], $0x2800  }
0x61: {  	[sflag:s20] =	ssyncset.done $0x0  }
0x62: {  	s31 =	sadd.s32 $0xFFFFFB00, s28;
	[sflag:s20] =	ssyncadd.s32 $0xFFFFD800  }
0x63: {  	[tilespmem:s15], [sflag:$0x1] =	stream.linear.gather [hbm4b:s31+s2], $0x2800, $0x38;
	[tilespmem:$0x1B000] =	vst v63  }
0x64: {  	_ =	swait.ge [sflag:s16], $0x2800  }
0x65: {  	[sflag:s16] =	ssyncset.done $0x0  }
.Ltmp1:
0x66: {  	s30 =	sadd.s32 $0x1080, s30;
	[sflag:s16] =	ssyncadd.s32 $0xFFFFD800;
	(pc) =	sbr.rel @p0 .LBB2_4-.Ltmp1, $4  }
0x67: {  	[spmem:s1] =	stream.indirect.scatter.add.f32 [tilespmem:s15], [sflag:$0x3], $0x80, s30, s17, $0xb8;
	[tilespmem:$0x1B000] =	vst v63  }
0x68: {  	_ =	swait.ge [sflag:s21], $0x2800  }
0x69: {  	[sflag:s21] =	ssyncset.done $0x0  }
0x6a: {  	s28 =	sadd.s32 $0xA00, s28;
	[sflag:s21] =	ssyncadd.s32 $0xFFFFD800  }
0x6b: {  	[tilespmem:s18], [sflag:$0x2] =	stream.linear.gather [hbm4b:s29+s2], $0x2800, $0x38;
	[tilespmem:$0x1B000] =	vst v63  }
0x6c: {  	_ =	swait.ge [sflag:s19], $0x2800  }
0x6d: {  	[sflag:s19] =	ssyncset.done $0x0  }
0x6e: {  	[sflag:s19] =	ssyncadd.s32 $0xFFFFD800  }
0x6f: {  	[spmem:s1] =	stream.indirect.scatter.add.f32 [tilespmem:s18], [sflag:$0x4], $0x80, s23, s17, $0xb8;
	[tilespmem:$0x1B000] =	vst v63  }
0x70: {  	_ =	swait.ge [sflag:s20], $0x2800  }
0x71: {  	[sflag:s20] =	ssyncset.done $0x0  }
0x72: {  	[sflag:s20] =	ssyncadd.s32 $0xFFFFD800  }
0x73: {  	_ =	swait.ge [sflag:s21], $0x2800  }
0x74: {  	s25 =	sadd.s32 $0x1, s25;
	[sflag:s21] =	ssyncset.done $0x0  }
0x75: {  	p0 =	sne.s32 s25, s11;
	[sflag:s21] =	ssyncadd.s32 $0xFFFFD800  }
.Ltmp2:
0x76: {  	[bflag:$0x0] =	sbarrier.arrive $0xFFFF;
	(pc) =	sbr.rel @p0 .LBB2_1-.Ltmp2, $4  }
0x77: {  	[hbm:s24], [sflag:s5] =	dma.local [spmem:s13], $0x2800  }
0x78: {  	_ =	swait.ge [sflag:s14], $0x2800  }
0x79: {  	[sflag:s14] =	ssyncset.done $0x0  }
0x7a: {  	[sflag:s14] =	ssyncadd.s32 $0xFFFFD800  }
0x7b: {  	_ =	sfence.sel $0x180000  }
0x7c: {  	[bflag:$0x0] =	sbarrier.arrive $0xFFFF  }
0x7d: {  	p0 =	sne.s32 s3, $0x0;
	_ =	strace $0x9000004A  }
0x7e: {  	s0 =	sadd.s32 @!p0 $0x100000, s0;
	[bflag:$0x2] =	sbarrier.arrive $0xFFFF  }
0x7f: {  	[sflag:s0] =	ssyncadd.tile.s32 @!p0 $0x1;
	_ =	shalt  }
.Lfunc_end2:
_tile_overlayer_lowered:
.L_overlay_start_2:
0x80: {  	(tag) =	ssettag $0x2  }
0x81: {  	s0 =	rddreg [dreg:$0x0];
	s2 =	stileid.u32  }
0x82: {  	s1 =	rddreg [dreg:$0x1];
	p0 =	sne.s32 s2, $0x0  }
0x83: {  	s3 =	rddreg [dreg:$0x2];
	[bflag:$0x3] =	sbarrier.arrive $0xFFFF;
	s2 =	simm.s32 @!p0 $0x1C05  }
0x84: {  	[timem:s3], [sflag:s2] =	dma.local @!p0 [hbm:s0], s1  }
0x85: {  	s0 =	simm.s32 @!p0 $0x5  }
0x86: {  	_ =	swait.ge @!p0 [sflag:s0], s1  }
0x87: {  	s1 =	ssub.s32 @!p0 $0x0, s1;
	[sflag:s0] =	ssyncset.done @!p0 $0x0  }
0x88: {  	[sflag:s0] =	ssyncadd.s32 @!p0 s1  }
0x89: {  	[bflag:$0x3] =	sbarrier.arrive $0xFFFF  }
0x8a: {  	_ =	shalt  }

// kernel: kernel.7.cloned.1.call-start
scs
__scs_entry_jumppad:
0x0: {  	(pc) =	sbr.rel $0x88, $3  }
0x1: {  	(tag) =	ssettag $0x0;
	lr =	simm.s32 $0x1  }
0x2: {  	[smem:$0x3F9B] =	sst lr;
	_ =	strace $0xD0000000  }
0x3: {  	_ = 	snop  }
0x4: {  	_ = 	snop  }
0x5: {  	_ = 	snop  }
0x6: {  	_ = 	snop  }
0x7: {  	_ = 	snop  }
__scs_overlays_trampoline_lowered:
0x8: {  	[smem:$0x3FAA] =	sst s0  }
0x9: {  	[smem:$0x3FAB] =	sst s1  }
0xa: {  	[smem:$0x3FAC] =	sst s2  }
0xb: {  	[smem:$0x3FAD] =	sst s3  }
0xc: {  	[smem:$0x3FAE] =	sst s4  }
0xd: {  	[smem:$0x3FAF] =	sst s5  }
0xe: {  	[smem:$0x3FB0] =	sst s6  }
0xf: {  	[smem:$0x3FB1] =	sst s7  }
0x10: {  	[smem:$0x3FB2] =	sst s8  }
0x11: {  	[smem:$0x3FB3] =	sst s9;
	s0 =	simm.s32 @!p0 $0x0  }
0x12: {  	s1 =	sld [smem:$0x3F99];
	s0 =	simm.s32 @p0 $0x1  }
0x13: {  	[smem:$0x3FB4] =	sst s0;
	s0 =	simm.s32 @!p1 $0x0  }
0x14: {  	s2 =	sld [smem:$0x3F98];
	s0 =	simm.s32 @p1 $0x1  }
0x15: {  	[smem:$0x3FB5] =	sst s0;
	s0 =	simm.s32 @!p2 $0x0  }
0x16: {  	s3 =	sld [smem:$0x3FDB];
	s0 =	simm.s32 @p2 $0x1  }
0x17: {  	s4 =	simm.s32 $0x1BF5;
	[smem:$0x3FB7] =	sst s0  }
0x18: {  	s0 =	sld [smem:$0x3F9A];
	_ =	swait.ge [sflag:s4], $0x0  }
0x19: {  	s7 =	sld [smem:$0x3F9B]  }
0x1a: {  	s8 =	sadd.s32 $0xFFFFE003, lr  }
0x1b: {  	s9 =	sadd.s32 $0xFFFFFEF7, lr;
	s5 =	simm.s32 $0xFFFFFFFF;
	p2 =	slt.u32 s8, $0xFFFFF086  }
0x1c: {  	p1 =	slt.u32 s9, $0xF7A;
	s5 =	simm.s32 @!p2 $0x0  }
0x1d: {  	s5 =	simm.s32 @p1 $0x1;
	p0 =	seq.s32 s7, s2  }
0x1e: {  	s7 =	smul.u32 @!p0 $0xF7A, s2;
	p2 =	seq.s32 @!p0 s5, $0x0  }
0x1f: {  	s9 =	smul.u32 $0xF7A, s1;
	s8 =	simm.s32 @!p0 $0x1BF5;
	p2 =	por !p2, p0  }
0x20: {  	[sflag:s8] =	ssyncset.s32 @!p0 $0xFFFFF086;
	s6 =	sadd.s32 @!p0 s3, s7;
	s7 =	simm.s32 @!p0 $0x108  }
0x21: {  	s3 =	sadd.s32 s3, s9;
	s6 =	sadd.s32 @!p0 $0x88, s6;
	s7 =	simm.s32 @p2 $0x1082  }
0x22: {  	[simem:s7], [sflag:s8] =	dma.local @!p0 [hbm:s6], $0xF7A  }
0x23: {  	s9 =	sor.u32 $0xD0000000, s2;
	s6 =	simm.s32 $0x108;
	_ =	swait.ge @!p0 [sflag:s8], $0x0  }
0x24: {  	s3 =	sadd.s32 $0x88, s3;
	s6 =	simm.s32 @!p1 $0x1082;
	[sflag:s4] =	ssyncset.s32 $0xFFFFF086  }
0x25: {  	[simem:s6], [sflag:s4] =	dma.local [hbm:s3], $0xF7A  }
0x26: {  	[smem:$0x3F9B] =	sst s1;
	(tag) =	ssettag s2;
	_ =	strace s9  }
0x27: {  	s1 =	sld [smem:$0x3FAB]  }
0x28: {  	s2 =	sld [smem:$0x3FAC]  }
0x29: {  	s4 =	sld [smem:$0x3FAE]  }
0x2a: {  	p0 =	seq.s32 s5, $0x0;
	s5 =	sld [smem:$0x3FAF]  }
0x2b: {  	s6 =	sld [smem:$0x3FB0]  }
0x2c: {  	s7 =	sld [smem:$0x3FB1]  }
0x2d: {  	s3 =	simm.s32 $0x108;
	s8 =	sld [smem:$0x3FB2]  }
0x2e: {  	s3 =	simm.s32 @!p0 $0x1082;
	s9 =	sld [smem:$0x3FB3]  }
0x2f: {  	lr =	sadd.s32 s0, s3;
	s0 =	sld [smem:$0x3FAA]  }
0x30: {  	s3 =	sld [smem:$0x3FAD]  }
0x31: {  	[smem:$0x3FB6] =	sst s10  }
0x32: {  	s10 =	sld [smem:$0x3FB4];
	_ =	sdelay $0x3  }
0x33: {  	p0 =	seq.s32 s10, $0x1;
	s10 =	sld [smem:$0x3FB6];
	_ =	sdelay $0x3  }
0x34: {  	[smem:$0x3FB6] =	sst s10  }
0x35: {  	s10 =	sld [smem:$0x3FB5];
	_ =	sdelay $0x3  }
0x36: {  	p1 =	seq.s32 s10, $0x1;
	s10 =	sld [smem:$0x3FB6];
	_ =	sdelay $0x3  }
0x37: {  	[smem:$0x3FB6] =	sst s10  }
0x38: {  	s10 =	sld [smem:$0x3FB7]  }
0x39: {  	_ = 	snop;
	(pc) =	sbr.ind lr, $3  }
0x3a: {  	_ = 	snop  }
0x3b: {  	_ = 	snop  }
0x3c: {  	p2 =	seq.s32 s10, $0x1;
	s10 =	sld [smem:$0x3FB6]  }
0x3d: {  	_ =	shalt  }
0x3e: {  	_ =	shalt  }
0x3f: {  	_ =	shalt  }
0x40: {  	_ =	shalt  }
0x41: {  	_ =	shalt  }
0x42: {  	_ =	shalt  }
0x43: {  	_ =	shalt  }
0x44: {  	_ =	shalt  }
0x45: {  	_ =	shalt  }
0x46: {  	_ =	shalt  }
0x47: {  	_ =	shalt  }
0x48: {  	_ =	shalt  }
0x49: {  	_ =	shalt  }
0x4a: {  	_ =	shalt  }
0x4b: {  	_ =	shalt  }
0x4c: {  	_ =	shalt  }
0x4d: {  	_ =	shalt  }
0x4e: {  	_ =	shalt  }
0x4f: {  	_ =	shalt  }
0x50: {  	_ =	shalt  }
0x51: {  	_ =	shalt  }
0x52: {  	_ =	shalt  }
0x53: {  	_ =	shalt  }
0x54: {  	_ =	shalt  }
0x55: {  	_ =	shalt  }
0x56: {  	_ =	shalt  }
0x57: {  	_ =	shalt  }
0x58: {  	_ =	shalt  }
0x59: {  	_ =	shalt  }
0x5a: {  	_ =	shalt  }
0x5b: {  	_ =	shalt  }
0x5c: {  	_ =	shalt  }
0x5d: {  	_ =	shalt  }
0x5e: {  	_ =	shalt  }
0x5f: {  	_ =	shalt  }
0x60: {  	_ =	shalt  }
0x61: {  	_ =	shalt  }
0x62: {  	_ =	shalt  }
0x63: {  	_ =	shalt  }
0x64: {  	_ =	shalt  }
0x65: {  	_ =	shalt  }
0x66: {  	_ =	shalt  }
0x67: {  	_ =	shalt  }
0x68: {  	_ =	shalt  }
0x69: {  	_ =	shalt  }
0x6a: {  	_ =	shalt  }
0x6b: {  	_ =	shalt  }
0x6c: {  	_ =	shalt  }
0x6d: {  	_ =	shalt  }
0x6e: {  	_ =	shalt  }
0x6f: {  	_ =	shalt  }
0x70: {  	_ =	shalt  }
0x71: {  	_ =	shalt  }
0x72: {  	_ =	shalt  }
0x73: {  	_ =	shalt  }
0x74: {  	_ =	shalt  }
0x75: {  	_ =	shalt  }
0x76: {  	_ =	shalt  }
0x77: {  	_ =	shalt  }
0x78: {  	_ =	shalt  }
0x79: {  	_ =	shalt  }
0x7a: {  	_ =	shalt  }
0x7b: {  	_ =	shalt  }
0x7c: {  	_ =	shalt  }
0x7d: {  	_ =	shalt  }
0x7e: {  	_ =	shalt  }
0x7f: {  	_ =	shalt  }
0x80: {  	_ =	shalt  }
0x81: {  	_ =	shalt  }
0x82: {  	_ =	shalt  }
0x83: {  	_ =	shalt  }
0x84: {  	_ =	shalt  }
0x85: {  	_ =	shalt  }
0x86: {  	_ =	shalt  }
0x87: {  	_ =	shalt  }
.Lfunc_end0:
.L_simem_size_0:
called_computation_lowered:
.L_overlay_start_0:
0x88: {  	s2 =	sld [smem:$0x3FD9]  }
0x89: {  	s3 =	sld [smem:$0x3FFE];
	_ =	sdelay $0x1  }
0x8a: {  	s1 =	srdreg.scid  }
0x8b: {  	s0 =	sand.u32 $0x1, s1  }
0x8c: {  	s17 =	sshll.u32 s0, $0xA;
	s2 =	sadd.s32 s3, s2  }
0x8d: {  	s2 =	sadd.s32 s2, s17  }
0x8e: {  	[smem:$0x3FC2] =	sst s2  }
0x8f: {  	_ = 	snop  }
0x90: {  	s2 =	sld [smem:$0x3FD0];
	(tm) =	ssettm $0x1  }
0x91: {  	s18 =	sld [smem:$0x3FFB];
	_ =	sdelay $0x3  }
0x92: {  	_ =	strace s18  }
0x93: {  	s3 =	sld [smem:$0x3FFC];
	_ =	sdelay $0x3  }
0x94: {  	_ =	strace s3  }
0x95: {  	s3 =	sld [smem:$0x3FFD];
	_ =	sdelay $0x3  }
0x96: {  	_ =	strace s3  }
0x97: {  	_ =	strace $0x8FFFFFFF  }
0x98: {  	s19 =	sld [smem:$0x3FDB];
	_ =	sdelay $0x1  }
0x99: {  	s4 =	simm.s32 $_scs_section_size  }
0x9a: {  	s5 =	simm.s32 $_size__tile_overlayer_lowered;
	s6 =	simm.s32 $_tile_overlayer_lowered  }
0x9b: {  	s22 =	simm.s32 $0x1BFF;
	s21 =	sshll.u32 s6, $0x1;
	s3 =	sadd.s32 s4, s19  }
0x9c: {  	s7 =	simm.s32 $0x0;
	s20 =	sshll.u32 s5, $0x1;
	s5 =	sadd.s32 s21, s3  }
0x9d: {  	[timem:s7], [sflag:s22] =	dma.local [hbm:s5], s20  }
0x9e: {  	_ =	swait.ge [sflag:s22], s20  }
0x9f: {  	s4 =	ssub.s32 $0x0, s20;
	[sflag:s22] =	ssyncset.done $0x0  }
0xa0: {  	[sflag:s22] =	ssyncadd.s32 s4;
	_ =	sdelay $0x1  }
0xa1: {  	s23 =	simm.s32 $0x1B8B  }
0xa2: {  	_ =	swait.ge [sflag:s23], $0x1  }
0xa3: {  	[sflag:s23] =	ssyncset.done $0x0  }
0xa4: {  	s25 =	simm.s32 $0x1B8E;
	s24 =	sld [smem:$0x3FFE];
	[sflag:s23] =	ssyncadd.s32 $0xFFFFFFFF  }
0xa5: {  	s26 =	simm.s32 $execute0_lowered;
	[smem:$0x3FD2] =	sst s25  }
0xa6: {  	s5 =	sshll.u32 s26, $0x1;
	_ =	strace $0x80000046;
	[dreg:$0x1] =	wrdreg $0xFFFFFFFF  }
0xa7: {  	s28 =	simm.s32 $_size_execute0_lowered;
	s3 =	sadd.s32 s3, s5;
	[dreg:$0x0] =	wrdreg $0x0  }
0xa8: {  	s5 =	sshll.u32 s28, $0x1;
	[dreg:$0x2] =	wrdreg s3  }
0xa9: {  	[dreg:$0x3] =	wrdreg s5  }
0xaa: {  	[dreg:$0x4] =	wrdreg $0xC0  }
0xab: {  	_ =	task [dreg:s7], $0x5FFFF  }
0xac: {  	[dreg:$0x1] =	wrdreg $0xFFFFFFFF  }
0xad: {  	[dreg:$0x0] =	wrdreg $0x60  }
0xae: {  	[dreg:$0x2] =	wrdreg s24  }
0xaf: {  	[dreg:$0x3] =	wrdreg s2  }
0xb0: {  	[dreg:$0x4] =	wrdreg $0x68000  }
0xb1: {  	[dreg:$0x5] =	wrdreg $0x9  }
0xb2: {  	_ =	task.clear_ibuf [dreg:s7], $0x6FFFF;
	_ =	strace $0x90000046  }
0xb3: {  	s29 =	simm.s32 $0x9;
	_ =	strace $0x80000048  }
0xb4: {  	_ =	swait.ge [sflag:s29], $0x1  }
0xb5: {  	[sflag:s29] =	ssyncadd.s32 $0xFFFFFFFF  }
0xb6: {  	_ =	strace $0x90000048  }
0xb7: {  	_ =	sfence  }
0xb8: {  	s30 =	sld [smem:$0x0];
	_ =	sdelay $0x2  }
0xb9: {  	s31 =	sshll.u32 s1, $0xD;
	s1 =	sshrl.u32 s1, $0x2  }
0xba: {  	s3 =	sand.u32 $0x4000, s31;
	s1 =	sadd.s32 s1, s30  }
0xbb: {  	s0 =	sor.u32 s3, s0;
	s1 =	sshll.u32 s1, $0x11  }
0xbc: {  	s0 =	sor.u32 s1, s0  }
0xbd: {  	s0 =	sadd.s32 $0x8F2B, s0  }
0xbe: {  	[sflag:s0] =	ssyncadd.remote.s32 $0x1  }
0xbf: {  	_ =	sfence.sel $0xFFFF  }
0xc0: {  	[dreg:$0x0] =	wrdreg $0xFFFFFFFF;
	(pc) =	sbr.abs _section_cstart, $3  }
0xc1: {  	[dreg:$0x1] =	wrdreg $0xFFFFFFFF  }
0xc2: {  	_ =	task.clear_ibuf [dreg:s7], $0x2FFFF;
	_ =	strace $0x9FFFFFFF  }
0xc3: {  	(tm) =	ssettm $0x7FFFFFFF  }
tec
execute0_lowered:
.L_overlay_start_1:
0x0: {  	(tag) =	ssettag $0x1  }
0x1: {  	s0 =	rddreg [dreg:$0x0]  }
0x2: {  	s3 =	rddreg [dreg:$0x1]  }
0x3: {  	s1 =	rddreg [dreg:$0x2];
	s2 =	simm.s32 $0x0;
	s5 =	srdreg.scid  }
0x4: {  	s15 =	stileid.u32;
	s17 =	simm.s32 $0x5;
	s18 =	simm.s32 $0x1800  }
0x5: {  	s19 =	simm.s32 $0x1;
	s20 =	simm.s32 $0x50;
	s29 =	simm.s32 $0xA00  }
0x6: {  	s30 =	simm.s32 $0x0;
	[smem:$0x7FF] =	sst s2;
	s11 =	sadd.s32 $0xA00, s0  }
0x7: {  	s4 =	sadd.s32 $0x276A00, s0;
	s7 =	sand.u32 $0x1, s5;
	s9 =	smul.u32 $0x50000, s15  }
0x8: {  	s12 =	sshll.u32 s15, $0x6;
	s28 =	smul.u32 $0x13B00, s15;
	_ =	strace $0x80000047  }
0x9: {  	s5 =	smul.u32 $0x28000, s7;
	s6 =	sshll.u32 s7, $0x4;
	s8 =	ssub.s32 $0x2, s7  }
0xa: {  	s26 =	smul.u32 $0x13B000, s7;
	s6 =	sor.u32 s15, s6;
	s21 =	sshrl.u32 s8, $0x1  }
0xb: {  	s9 =	sshrl.u32 s9, $0x2;
	s0 =	sadd.s32 s5, s0;
	s10 =	smul.u32 $0x2400, s6  }
0xc: {  	s13 =	smul.u32 $0x9D800, s6;
	s14 =	ssub.s32 s8, s21;
	s16 =	sadd.s32 s9, s1  }
0xd: {  	s5 =	sor.u32 $0x1C05, s12;
	s23 =	smul.u32 $0x13B00, s6;
	s31 =	sadd.s32 s26, s11  }
0xe: {  	s21 =	simm.s32 $0x4000;
	s0 =	sadd.s32 $0x279200, s0;
	s12 =	sadd.s32 s28, s31  }
0xf: {  	s16 =	sshrl.u32 s16, $0x3;
	s22 =	sshrl.u32 s10, $0x3;
	s24 =	sshrl.u32 s13, $0x3  }
0x10: {  	s7 =	sadd.s32 s11, s23;
	s13 =	smax.u32 s14, $0x1;
	s23 =	simm.s32 $0x3  }
0x11: {  	s6 =	sadd.s32 s3, s22;
	s25 =	sadd.s32 s11, s24;
	s24 =	smul.u32 $0x2800, s15  }
0x12: {  	s3 =	sadd.s32 $0x7300, s12;
	s15 =	sadd.s32 $0xDC00, s12;
	s22 =	simm.s32 $0x2  }
0x13: {  	s8 =	sadd.s32 $0x500, s25;
	s9 =	sadd.s32 $0x180, s6;
	s10 =	sadd.s32 $0xD200, s25  }
0x14: {  	s11 =	sadd.s32 $0x300, s6;
	s25 =	simm.s32 $0x4;
	s24 =	sadd.s32 s24, s0  }
.LBB2_1:
0x15: {  	[spmem:s16], [sflag:s5] =	dma.local [hbm:s4], $0x2800  }
0x16: {  	_ =	swait.ge [sflag:s17], $0x2800  }
0x17: {  	[sflag:s17] =	ssyncset.done $0x0  }
0x18: {  	[sflag:s17] =	ssyncadd.s32 $0xFFFFD800  }
0x19: {  	[bflag:$0x0] =	sbarrier.arrive $0xFFFF  }
0x1a: {  	[tilespmem:s2], [sflag:$0x5] =	stream.linear.gather [hbm4b:s6+s2], $0xA80, $0x38;
	[tilespmem:$0x1A800] =	vst v63  }
0x1b: {  	_ =	swait.ge [sflag:s17], $0xA80  }
0x1c: {  	[sflag:s17] =	ssyncset.done $0x0  }
0x1d: {  	[sflag:s17] =	ssyncadd.s32 $0xFFFFF580  }
0x1e: {  	[tilespmem:s18], [sflag:$0x1] =	stream.linear.gather [hbm4b:s7+s2], $0x2800, $0x38;
	[tilespmem:$0x1A800] =	vst v63  }
0x1f: {  	_ =	swait.ge [sflag:s19], $0x2800  }
0x20: {  	[sflag:s19] =	ssyncset.done $0x0  }
0x21: {  	[sflag:s19] =	ssyncadd.s32 $0xFFFFD800  }
0x22: {  	[spmem:s1] =	stream.indirect.scatter.add.f32 [tilespmem:s18], [sflag:$0x3], $0x80, s2, s20, $0xb8;
	[tilespmem:$0x1A800] =	vst v63  }
0x23: {  	_ = 	snop  }
0x24: {  	[tilespmem:s21], [sflag:$0x2] =	stream.linear.gather [hbm4b:s8+s2], $0x2800, $0x38;
	[tilespmem:$0x1A800] =	vst v63  }
0x25: {  	_ =	swait.ge [sflag:s22], $0x2800  }
0x26: {  	[sflag:s22] =	ssyncset.done $0x0  }
0x27: {  	s0 =	simm.s32 $0x80;
	[sflag:s22] =	ssyncadd.s32 $0xFFFFD800  }
0x28: {  	[spmem:s1] =	stream.indirect.scatter.add.f32 [tilespmem:s21], [sflag:$0x4], $0x80, s0, s20, $0xb8;
	[tilespmem:$0x1A800] =	vst v63  }
0x29: {  	_ =	swait.ge [sflag:s23], $0x2800  }
0x2a: {  	s26 =	sadd.s32 $0x0, s12;
	[sflag:s23] =	ssyncset.done $0x0  }
0x2b: {  	s14 =	sadd.s32 $0xA00, s26;
	[sflag:s23] =	ssyncadd.s32 $0xFFFFD800  }
0x2c: {  	[tilespmem:s18], [sflag:$0x1] =	stream.linear.gather [hbm4b:s14+s2], $0x2800, $0x38;
	[tilespmem:$0x1A800] =	vst v63  }
0x2d: {  	_ =	swait.ge [sflag:s19], $0x2800  }
0x2e: {  	[sflag:s19] =	ssyncset.done $0x0  }
0x2f: {  	s28 =	simm.s32 $0x100;
	[sflag:s19] =	ssyncadd.s32 $0xFFFFD800  }
0x30: {  	[spmem:s1] =	stream.indirect.scatter.add.f32 [tilespmem:s18], [sflag:$0x3], $0x80, s28, s20, $0xb8;
	[tilespmem:$0x1A800] =	vst v63  }
0x31: {  	_ =	swait.ge [sflag:s25], $0x2800  }
0x32: {  	s31 =	simm.s32 $0xA00;
	[sflag:s25] =	ssyncset.done $0x0  }
0x33: {  	s0 =	simm.s32 $0x180;
	s14 =	sadd.s32 $0xF00, s26;
	[sflag:s25] =	ssyncadd.s32 $0xFFFFD800  }
.LBB2_2:
0x34: {  	[tilespmem:s21], [sflag:$0x2] =	stream.linear.gather [hbm4b:s14+s2], $0x2800, $0x38;
	[tilespmem:$0x1A800] =	vst v63  }
0x35: {  	s14 =	smov.u32 s31  }
0x36: {  	p0 =	sne.s32 s31, $0x5A00;
	s31 =	sadd.s32 $0xA00, s31;
	_ =	swait.ge [sflag:s22], $0x2800  }
0x37: {  	[sflag:s22] =	ssyncset.done $0x0  }
0x38: {  	[sflag:s22] =	ssyncadd.s32 $0xFFFFD800  }
0x39: {  	[spmem:s1] =	stream.indirect.scatter.add.f32 [tilespmem:s21], [sflag:$0x4], $0x80, s0, s20, $0xb8;
	[tilespmem:$0x1A800] =	vst v63  }
0x3a: {  	_ =	swait.ge [sflag:s23], $0x2800  }
0x3b: {  	s14 =	sadd.s32 s14, s12;
	[sflag:s23] =	ssyncset.done $0x0  }
0x3c: {  	s26 =	sadd.s32 $0xA00, s14;
	[sflag:s23] =	ssyncadd.s32 $0xFFFFD800  }
0x3d: {  	[tilespmem:s18], [sflag:$0x1] =	stream.linear.gather [hbm4b:s26+s2], $0x2800, $0x38;
	[tilespmem:$0x1A800] =	vst v63  }
0x3e: {  	_ =	swait.ge [sflag:s19], $0x2800  }
0x3f: {  	[sflag:s19] =	ssyncset.done $0x0  }
.Ltmp0:
0x40: {  	s26 =	sadd.s32 $0x80, s0;
	[sflag:s19] =	ssyncadd.s32 $0xFFFFD800;
	(pc) =	sbr.rel @p0 .LBB2_2-.Ltmp0, $4  }
0x41: {  	[spmem:s1] =	stream.indirect.scatter.add.f32 [tilespmem:s18], [sflag:$0x3], $0x80, s26, s20, $0xb8;
	[tilespmem:$0x1A800] =	vst v63  }
0x42: {  	_ =	swait.ge [sflag:s25], $0x2800  }
0x43: {  	[sflag:s25] =	ssyncset.done $0x0  }
0x44: {  	s14 =	sadd.s32 $0xF00, s14;
	s0 =	sadd.s32 $0x100, s0;
	[sflag:s25] =	ssyncadd.s32 $0xFFFFD800  }
0x45: {  	[tilespmem:s21], [sflag:$0x2] =	stream.linear.gather [hbm4b:s14+s2], $0x2800, $0x38;
	[tilespmem:$0x1A800] =	vst v63  }
0x46: {  	s0 =	simm.s32 $0x0;
	s28 =	simm.s32 $0xC00  }
0x47: {  	[tilespmem:s28], [sflag:$0x5] =	stream.linear.gather [hbm4b:s9+s0], $0xA80, $0x38;
	[tilespmem:$0x1A800] =	vst v63  }
0x48: {  	_ =	swait.ge [sflag:s17], $0xA80  }
0x49: {  	[sflag:s17] =	ssyncset.done $0x0  }
0x4a: {  	[sflag:s17] =	ssyncadd.s32 $0xFFFFF580  }
0x4b: {  	_ =	swait.ge [sflag:s22], $0x2800  }
0x4c: {  	[sflag:s22] =	ssyncset.done $0x0  }
0x4d: {  	s14 =	simm.s32 $0xC00;
	[sflag:s22] =	ssyncadd.s32 $0xFFFFD800  }
0x4e: {  	[spmem:s1] =	stream.indirect.scatter.add.f32 [tilespmem:s21], [sflag:$0x4], $0x80, s14, s20, $0xb8;
	[tilespmem:$0x1A800] =	vst v63  }
0x4f: {  	_ =	swait.ge [sflag:s23], $0x2800  }
0x50: {  	[sflag:s23] =	ssyncset.done $0x0  }
0x51: {  	s26 =	sadd.s32 $0xFFFFFB00, s3;
	[sflag:s23] =	ssyncadd.s32 $0xFFFFD800  }
0x52: {  	[tilespmem:s18], [sflag:$0x1] =	stream.linear.gather [hbm4b:s26+s2], $0x2800, $0x38;
	[tilespmem:$0x1A800] =	vst v63  }
0x53: {  	_ =	swait.ge [sflag:s19], $0x2800  }
0x54: {  	[sflag:s19] =	ssyncset.done $0x0  }
0x55: {  	s28 =	simm.s32 $0xC80;
	[sflag:s19] =	ssyncadd.s32 $0xFFFFD800  }
0x56: {  	[spmem:s1] =	stream.indirect.scatter.add.f32 [tilespmem:s18], [sflag:$0x3], $0x80, s28, s20, $0xb8;
	[tilespmem:$0x1A800] =	vst v63  }
0x57: {  	_ =	swait.ge [sflag:s25], $0x2800  }
0x58: {  	s31 =	simm.s32 $0x400;
	[sflag:s25] =	ssyncset.done $0x0  }
0x59: {  	s0 =	sadd.s32 $0xA00, s3;
	s14 =	smov.u32 s3;
	[sflag:s25] =	ssyncadd.s32 $0xFFFFD800  }
.LBB2_4:
0x5a: {  	[tilespmem:s21], [sflag:$0x2] =	stream.linear.gather [hbm4b:s14+s2], $0x2800, $0x38;
	[tilespmem:$0x1A800] =	vst v63  }
0x5b: {  	s26 =	smov.u32 s31;
	s14 =	smov.u32 s0  }
0x5c: {  	p0 =	sne.s32 s31, $0x2400;
	s31 =	sadd.s32 $0x400, s31;
	_ =	swait.ge [sflag:s22], $0x2800  }
0x5d: {  	s26 =	sshra.s32 s26, $0x2;
	[sflag:s22] =	ssyncset.done $0x0  }
0x5e: {  	s28 =	sadd.s32 $0xC00, s26;
	[sflag:s22] =	ssyncadd.s32 $0xFFFFD800  }
0x5f: {  	[spmem:s1] =	stream.indirect.scatter.add.f32 [tilespmem:s21], [sflag:$0x4], $0x80, s28, s20, $0xb8;
	[tilespmem:$0x1A800] =	vst v63  }
0x60: {  	_ =	swait.ge [sflag:s23], $0x2800  }
0x61: {  	[sflag:s23] =	ssyncset.done $0x0  }
0x62: {  	s28 =	sadd.s32 $0xFFFFFB00, s0;
	[sflag:s23] =	ssyncadd.s32 $0xFFFFD800  }
0x63: {  	[tilespmem:s18], [sflag:$0x1] =	stream.linear.gather [hbm4b:s28+s2], $0x2800, $0x38;
	[tilespmem:$0x1A800] =	vst v63  }
0x64: {  	_ =	swait.ge [sflag:s19], $0x2800  }
0x65: {  	[sflag:s19] =	ssyncset.done $0x0  }
.Ltmp1:
0x66: {  	s26 =	sadd.s32 $0xC80, s26;
	[sflag:s19] =	ssyncadd.s32 $0xFFFFD800;
	(pc) =	sbr.rel @p0 .LBB2_4-.Ltmp1, $4  }
0x67: {  	[spmem:s1] =	stream.indirect.scatter.add.f32 [tilespmem:s18], [sflag:$0x3], $0x80, s26, s20, $0xb8;
	[tilespmem:$0x1A800] =	vst v63  }
0x68: {  	_ =	swait.ge [sflag:s25], $0x2800  }
0x69: {  	[sflag:s25] =	ssyncset.done $0x0  }
0x6a: {  	s0 =	sadd.s32 $0xA00, s0;
	[sflag:s25] =	ssyncadd.s32 $0xFFFFD800  }
0x6b: {  	[tilespmem:s21], [sflag:$0x2] =	stream.linear.gather [hbm4b:s14+s2], $0x2800, $0x38;
	[tilespmem:$0x1A800] =	vst v63  }
0x6c: {  	_ =	swait.ge [sflag:s22], $0x2800  }
0x6d: {  	[sflag:s22] =	ssyncset.done $0x0  }
0x6e: {  	s0 =	simm.s32 $0x1600;
	[sflag:s22] =	ssyncadd.s32 $0xFFFFD800  }
0x6f: {  	[spmem:s1] =	stream.indirect.scatter.add.f32 [tilespmem:s21], [sflag:$0x4], $0x80, s0, s20, $0xb8;
	[tilespmem:$0x1A800] =	vst v63  }
0x70: {  	_ =	swait.ge [sflag:s23], $0x2800  }
0x71: {  	[sflag:s23] =	ssyncset.done $0x0  }
0x72: {  	s28 =	simm.s32 $0x0;
	[sflag:s23] =	ssyncadd.s32 $0xFFFFD800  }
0x73: {  	[tilespmem:s18], [sflag:$0x1] =	stream.linear.gather [hbm4b:s10+s28], $0x2800, $0x38;
	[tilespmem:$0x1A800] =	vst v63  }
0x74: {  	_ = 	snop  }
0x75: {  	[tilespmem:s28], [sflag:$0x5] =	stream.linear.gather [hbm4b:s11+s28], $0xA80, $0x38;
	[tilespmem:$0x1A800] =	vst v63  }
0x76: {  	_ =	swait.ge [sflag:s17], $0xA80  }
0x77: {  	[sflag:s17] =	ssyncset.done $0x0  }
0x78: {  	[sflag:s17] =	ssyncadd.s32 $0xFFFFF580  }
0x79: {  	_ =	swait.ge [sflag:s19], $0x2800  }
0x7a: {  	[sflag:s19] =	ssyncset.done $0x0  }
0x7b: {  	s14 =	simm.s32 $0x0;
	[sflag:s19] =	ssyncadd.s32 $0xFFFFD800  }
0x7c: {  	[spmem:s1] =	stream.indirect.scatter.add.f32 [tilespmem:s18], [sflag:$0x3], $0x80, s14, s20, $0xb8;
	[tilespmem:$0x1A800] =	vst v63  }
0x7d: {  	_ =	swait.ge [sflag:s25], $0x2800  }
0x7e: {  	[sflag:s25] =	ssyncset.done $0x0  }
0x7f: {  	s26 =	sadd.s32 $0xFFFFFB00, s15;
	[sflag:s25] =	ssyncadd.s32 $0xFFFFD800  }
0x80: {  	[tilespmem:s21], [sflag:$0x2] =	stream.linear.gather [hbm4b:s26+s2], $0x2800, $0x38;
	[tilespmem:$0x1A800] =	vst v63  }
0x81: {  	_ =	swait.ge [sflag:s22], $0x2800  }
0x82: {  	[sflag:s22] =	ssyncset.done $0x0  }
0x83: {  	s28 =	simm.s32 $0x80;
	[sflag:s22] =	ssyncadd.s32 $0xFFFFD800  }
0x84: {  	[spmem:s1] =	stream.indirect.scatter.add.f32 [tilespmem:s21], [sflag:$0x4], $0x80, s28, s20, $0xb8;
	[tilespmem:$0x1A800] =	vst v63  }
0x85: {  	_ =	swait.ge [sflag:s23], $0x2800  }
0x86: {  	s31 =	simm.s32 $0x400;
	[sflag:s23] =	ssyncset.done $0x0  }
0x87: {  	s0 =	sadd.s32 $0xA00, s15;
	s14 =	smov.u32 s15;
	[sflag:s23] =	ssyncadd.s32 $0xFFFFD800  }
.LBB2_6:
0x88: {  	[tilespmem:s18], [sflag:$0x1] =	stream.linear.gather [hbm4b:s14+s2], $0x2800, $0x38;
	[tilespmem:$0x1A800] =	vst v63  }
0x89: {  	s26 =	smov.u32 s31;
	s14 =	smov.u32 s0  }
0x8a: {  	p0 =	sne.s32 s31, $0x2400;
	s31 =	sadd.s32 $0x400, s31;
	_ =	swait.ge [sflag:s19], $0x2800  }
0x8b: {  	[sflag:s19] =	ssyncset.done $0x0  }
0x8c: {  	s26 =	sshra.s32 s26, $0x2;
	[sflag:s19] =	ssyncadd.s32 $0xFFFFD800  }
0x8d: {  	[spmem:s1] =	stream.indirect.scatter.add.f32 [tilespmem:s18], [sflag:$0x3], $0x80, s26, s20, $0xb8;
	[tilespmem:$0x1A800] =	vst v63  }
0x8e: {  	_ =	swait.ge [sflag:s25], $0x2800  }
0x8f: {  	[sflag:s25] =	ssyncset.done $0x0  }
0x90: {  	s28 =	sadd.s32 $0xFFFFFB00, s0;
	[sflag:s25] =	ssyncadd.s32 $0xFFFFD800  }
0x91: {  	[tilespmem:s21], [sflag:$0x2] =	stream.linear.gather [hbm4b:s28+s2], $0x2800, $0x38;
	[tilespmem:$0x1A800] =	vst v63  }
0x92: {  	_ =	swait.ge [sflag:s22], $0x2800  }
0x93: {  	[sflag:s22] =	ssyncset.done $0x0  }
.Ltmp2:
0x94: {  	s26 =	sadd.s32 $0x80, s26;
	[sflag:s22] =	ssyncadd.s32 $0xFFFFD800;
	(pc) =	sbr.rel @p0 .LBB2_6-.Ltmp2, $4  }
0x95: {  	[spmem:s1] =	stream.indirect.scatter.add.f32 [tilespmem:s21], [sflag:$0x4], $0x80, s26, s20, $0xb8;
	[tilespmem:$0x1A800] =	vst v63  }
0x96: {  	_ =	swait.ge [sflag:s23], $0x2800  }
0x97: {  	[sflag:s23] =	ssyncset.done $0x0  }
0x98: {  	s0 =	sadd.s32 $0xA00, s0;
	[sflag:s23] =	ssyncadd.s32 $0xFFFFD800  }
0x99: {  	[tilespmem:s18], [sflag:$0x1] =	stream.linear.gather [hbm4b:s14+s2], $0x2800, $0x38;
	[tilespmem:$0x1A800] =	vst v63  }
0x9a: {  	_ =	swait.ge [sflag:s19], $0x2800  }
0x9b: {  	[sflag:s19] =	ssyncset.done $0x0  }
0x9c: {  	[sflag:s19] =	ssyncadd.s32 $0xFFFFD800  }
0x9d: {  	[spmem:s1] =	stream.indirect.scatter.add.f32 [tilespmem:s18], [sflag:$0x3], $0x80, s29, s20, $0xb8;
	[tilespmem:$0x1A800] =	vst v63  }
0x9e: {  	_ =	swait.ge [sflag:s25], $0x2800  }
0x9f: {  	[sflag:s25] =	ssyncset.done $0x0  }
0xa0: {  	[sflag:s25] =	ssyncadd.s32 $0xFFFFD800  }
0xa1: {  	_ =	swait.ge [sflag:s23], $0x2800  }
0xa2: {  	s30 =	sadd.s32 $0x1, s30;
	[sflag:s23] =	ssyncset.done $0x0  }
0xa3: {  	p0 =	sne.s32 s30, s13;
	[sflag:s23] =	ssyncadd.s32 $0xFFFFD800  }
.Ltmp3:
0xa4: {  	[bflag:$0x0] =	sbarrier.arrive $0xFFFF;
	(pc) =	sbr.rel @p0 .LBB2_1-.Ltmp3, $4  }
0xa5: {  	[hbm:s24], [sflag:s5] =	dma.local [spmem:s16], $0x2800  }
0xa6: {  	_ =	swait.ge [sflag:s17], $0x2800  }
0xa7: {  	[sflag:s17] =	ssyncset.done $0x0  }
0xa8: {  	[sflag:s17] =	ssyncadd.s32 $0xFFFFD800  }
0xa9: {  	_ =	sfence.sel $0x180000  }
0xaa: {  	[bflag:$0x0] =	sbarrier.arrive $0xFFFF  }
0xab: {  	_ =	strace $0x90000047  }
0xac: {  	s0 =	stileid.u32;
	[bflag:$0x2] =	sbarrier.arrive $0xFFFF  }
0xad: {  	p0 =	sne.s32 s0, $0x0;
	s0 =	rddreg [dreg:$0x3]  }
0xae: {  	s0 =	sadd.s32 @!p0 $0x100000, s0  }
0xaf: {  	[sflag:s0] =	ssyncadd.tile.s32 @!p0 $0x1;
	_ =	shalt  }
.Lfunc_end2:
_tile_overlayer_lowered:
.L_overlay_start_2:
0xb0: {  	(tag) =	ssettag $0x2  }
0xb1: {  	s0 =	rddreg [dreg:$0x0];
	s2 =	stileid.u32  }
0xb2: {  	s1 =	rddreg [dreg:$0x1];
	p0 =	sne.s32 s2, $0x0  }
0xb3: {  	s3 =	rddreg [dreg:$0x2];
	[bflag:$0x3] =	sbarrier.arrive $0xFFFF;
	s2 =	simm.s32 @!p0 $0x1C05  }
0xb4: {  	[timem:s3], [sflag:s2] =	dma.local @!p0 [hbm:s0], s1  }
0xb5: {  	s0 =	simm.s32 @!p0 $0x5  }
0xb6: {  	_ =	swait.ge @!p0 [sflag:s0], s1  }
0xb7: {  	s1 =	ssub.s32 @!p0 $0x0, s1;
	[sflag:s0] =	ssyncset.done @!p0 $0x0  }
0xb8: {  	[sflag:s0] =	ssyncadd.s32 @!p0 s1  }
0xb9: {  	[bflag:$0x3] =	sbarrier.arrive $0xFFFF  }
0xba: {  	_ =	shalt  }

</sc_bundles>
